<compile_context>
chip_gen: v7x
topology: tpu7x:2x2x1
jax: 0.10.2.dev20260603
libtpu: 0.0.44.dev20260713+nightly
codegen_flags: <defaults>
</compile_context>

<pallas_src>
import functools

import jax
import jax.numpy as jnp
from jax import lax
from jax.experimental import pallas as pl
from jax.experimental.pallas import tpu as pltpu
from jax.experimental.pallas import tpu_sc as plsc

N = 10000
D = 128
INNER = 20
ENC = 16

NC = 2
NS = 16
CHUNK = 128

NPAD = 10112
NBUF = 4
K0_FRAC = 0.95
RPT = NPAD // NS
R1 = 24
R2 = 16

_HI = lax.Precision.HIGHEST


def _dot(a, b):
    return lax.dot_general(a, b, (((1,), (0,)), ((), ())), precision=_HI)


def _make_sc_scatter(R, k0, k1):
    mesh = plsc.VectorSubcoreMesh(core_axis_name="c", subcore_axis_name="s")
    kmax = max(k0, k1)

    def body(table, srcs, dsts, zeros, out, src_v, dst_v, r0, r1, r2, r3,
             acc, g0, g1, g2, g3):
        rows = (r0, r1, r2, r3)
        gsem = (g0, g1, g2, g3)
        c = lax.axis_index("c")
        s = lax.axis_index("s")
        pltpu.sync_copy(zeros.at[pl.ds(s * RPT, RPT)],
                        acc.at[pl.ds(s * RPT, RPT)])
        k = lax.select(c == 0, k0, k1)
        lo = lax.select(c == 0, s * k0, NS * k0 + s * k1)

        @pl.when(c == 0)
        def _():
            pltpu.sync_copy(srcs.at[pl.ds(lo, k0)], src_v.at[pl.ds(0, k0)])
            pltpu.sync_copy(dsts.at[pl.ds(lo, k0)], dst_v.at[pl.ds(0, k0)])

        @pl.when(c == 1)
        def _():
            pltpu.sync_copy(srcs.at[pl.ds(lo, k1)], src_v.at[pl.ds(0, k1)])
            pltpu.sync_copy(dsts.at[pl.ds(lo, k1)], dst_v.at[pl.ds(0, k1)])

        plsc.subcore_barrier()

        for b in range(NBUF):
            pltpu.async_copy(table.at[src_v.at[b]], rows[b], gsem[b])

        def step(i, carry):
            base = i * NBUF
            for b in range(NBUF):
                pltpu.make_async_copy(table.at[src_v.at[0]], rows[b],
                                      gsem[b]).wait()
                pltpu.sync_copy(rows[b], acc.at[dst_v.at[base + b]],
                                add=True)

                @pl.when(base + NBUF + b < k)
                def _():
                    pltpu.async_copy(table.at[src_v.at[base + NBUF + b]],
                                     rows[b], gsem[b])
            return carry

        lax.fori_loop(0, k // NBUF, step, 0, unroll=False)
        plsc.subcore_barrier()
        pltpu.sync_copy(acc.at[pl.ds(s * RPT, RPT)],
                        out.at[c, pl.ds(s * RPT, RPT)])

    return pl.kernel(
        body,
        mesh=mesh,
        compiler_params=pltpu.CompilerParams(use_tc_tiling_on_sc=False),
        out_type=jax.ShapeDtypeStruct((NC, NPAD, R), jnp.float32),
        scratch_types=(
            [pltpu.VMEM((kmax, CHUNK), jnp.int32)] * 2
            + [pltpu.VMEM((CHUNK, R), jnp.float32)] * NBUF
            + [pltpu.VMEM_SHARED((NPAD, R), jnp.float32)]
            + [pltpu.SemaphoreType.DMA] * NBUF
        ),
    )


def _table1_body(x_ref, w1_ref, y_ref):
    y = _dot(x_ref[...], w1_ref[D:, :])
    ones = jnp.ones((N, 1), jnp.float32)
    pad = jnp.zeros((N, R1 - INNER - 1), jnp.float32)
    y_ref[...] = jnp.concatenate([y, ones, pad], axis=1)


NBLK = 5
BLK = N // NBLK


def _mid1_body(u_ref, x_ref, w1_ref, b1_ref, h_ref, stats_ref, acc):
    i = pl.program_id(0)

    @pl.when(i == 0)
    def _():
        acc[...] = jnp.zeros_like(acc)

    u = u_ref[0] + u_ref[1]
    seg = u[:, :INNER]
    deg = u[:, INNER:INNER + 1]
    wd1 = w1_ref[:D, :] - w1_ref[D:, :]
    h = deg * (_dot(x_ref[...], wd1) + b1_ref[...]) + seg
    h_ref[...] = h
    acc[...] += jnp.concatenate(
        [jnp.sum(h, axis=0, keepdims=True),
         jnp.sum(h * h, axis=0, keepdims=True)], axis=0)
    stats_ref[...] = acc[...]


def _mid2_body(h_ref, stats_ref, u_ref, g_ref, be_ref, w2_ref, b2_ref,
               m_ref, od_ref):
    h = h_ref[...]
    deg = u_ref[0, :, INNER:INNER + 1] + u_ref[1, :, INNER:INNER + 1]
    mean = stats_ref[0:1, :] * (1.0 / N)
    var = stats_ref[1:2, :] * (1.0 / N) - mean * mean
    hp = jnp.maximum((h - mean) * lax.rsqrt(var + 1e-5) * g_ref[...]
                     + be_ref[...], 0.0)
    w2b = w2_ref[INNER:, :]
    m_ref[...] = _dot(hp, w2b)
    od_ref[...] = deg * (_dot(hp, w2_ref[:INNER, :] - w2b) + b2_ref[...])


def _fin_body(od_ref, p_ref, out_ref):
    out_ref[...] = od_ref[...] + p_ref[0, :N] + p_ref[1, :N]


_sc_scatter_cache = {}


def _sc_scatter(R, k0, k1):
    key = (R, k0, k1)
    if key not in _sc_scatter_cache:
        _sc_scatter_cache[key] = _make_sc_scatter(R, k0, k1)
    return _sc_scatter_cache[key]


def kernel(x, edge_index, W1, b1, gamma, beta, W2, b2):
    f32 = jnp.float32
    e = edge_index.shape[1]
    ktot = -(-e // (NS * CHUNK))
    ktot = -(-ktot // (2 * NBUF)) * (2 * NBUF)
    k0 = max(NBUF, int(round(ktot * K0_FRAC / NBUF)) * NBUF)
    k1 = ktot - k0
    epad = NS * ktot * CHUNK
    src = jnp.concatenate(
        [edge_index[0], jnp.zeros((epad - e,), jnp.int32)]
    ).reshape(NS * ktot, CHUNK)
    dst = jnp.concatenate(
        [edge_index[1], jnp.full((epad - e,), N, jnp.int32)]
    ).reshape(NS * ktot, CHUNK)
    zeros1 = jnp.zeros((NPAD, R1), f32)
    zeros2 = jnp.zeros((NPAD, R2), f32)

    y_ext = pl.pallas_call(
        _table1_body,
        out_shape=jax.ShapeDtypeStruct((N, R1), f32),
    )(x, W1)

    u = _sc_scatter(R1, k0, k1)(y_ext, src, dst, zeros1)

    h, stats = pl.pallas_call(
        _mid1_body,
        grid=(NBLK,),
        in_specs=[
            pl.BlockSpec((2, BLK, R1), lambda i: (0, i, 0)),
            pl.BlockSpec((BLK, D), lambda i: (i, 0)),
            pl.BlockSpec((2 * D, INNER), lambda i: (0, 0)),
            pl.BlockSpec((1, INNER), lambda i: (0, 0)),
        ],
        out_specs=[
            pl.BlockSpec((BLK, INNER), lambda i: (i, 0)),
            pl.BlockSpec((2, INNER), lambda i: (0, 0)),
        ],
        out_shape=[jax.ShapeDtypeStruct((N, INNER), f32),
                   jax.ShapeDtypeStruct((2, INNER), f32)],
        scratch_shapes=[pltpu.VMEM((2, INNER), f32)],
    )(u, x, W1, b1.reshape(1, INNER))

    m, od = pl.pallas_call(
        _mid2_body,
        grid=(NBLK,),
        in_specs=[
            pl.BlockSpec((BLK, INNER), lambda i: (i, 0)),
            pl.BlockSpec((2, INNER), lambda i: (0, 0)),
            pl.BlockSpec((2, BLK, R1), lambda i: (0, i, 0)),
            pl.BlockSpec((1, INNER), lambda i: (0, 0)),
            pl.BlockSpec((1, INNER), lambda i: (0, 0)),
            pl.BlockSpec((2 * INNER, ENC), lambda i: (0, 0)),
            pl.BlockSpec((1, ENC), lambda i: (0, 0)),
        ],
        out_specs=[
            pl.BlockSpec((BLK, ENC), lambda i: (i, 0)),
            pl.BlockSpec((BLK, ENC), lambda i: (i, 0)),
        ],
        out_shape=[jax.ShapeDtypeStruct((N, ENC), f32),
                   jax.ShapeDtypeStruct((N, ENC), f32)],
    )(h, stats, u, gamma.reshape(1, INNER), beta.reshape(1, INNER),
      W2, b2.reshape(1, ENC))

    p = _sc_scatter(R2, k0, k1)(m, src, dst, zeros2)

    out = pl.pallas_call(
        _fin_body,
        out_shape=jax.ShapeDtypeStruct((N, ENC), f32),
    )(od, p)
    return out

# --- scband reference (transcript-rebuilt; emitter-appended) ---
"""Pipeline reference for scband-convolution-encoder-48661979464280 (READ-ONLY COPY).

The authoritative reference and input builder live on the scoring server;
editing this copy changes nothing except your own understanding.
"""

import jax, jax.numpy as jnp
import numpy as np

N = 10000
E = 320000
D = 128
INNER = 20
ENC = 16


def setup_inputs(seed: int = 0) -> dict:
    key = jax.random.key(seed)
    k1, k2, k3, k4 = jax.random.split(key, 4)
    x = jax.random.normal(k1, (N, D), dtype=jnp.float32)
    edge_index = jax.random.randint(k2, (2, E), 0, N, dtype=jnp.int32)
    # EdgeConvolution layer 1 params (MLP over [x_dst, x_src - x_dst])
    W1 = jax.random.normal(k3, (2 * D, INNER), dtype=jnp.float32) * 0.05
    b1 = jnp.zeros((INNER,), dtype=jnp.float32)
    # LazyBatchNorm1d params
    gamma = jnp.ones((INNER,), dtype=jnp.float32)
    beta = jnp.zeros((INNER,), dtype=jnp.float32)
    # EdgeConvolution layer 2 params
    W2 = jax.random.normal(k4, (2 * INNER, ENC), dtype=jnp.float32) * 0.1
    b2 = jnp.zeros((ENC,), dtype=jnp.float32)
    return {"x": x, "edge_index": edge_index, "W1": W1, "b1": b1,
            "gamma": gamma, "beta": beta, "W2": W2, "b2": b2}


def _edge_conv(x, src, dst, W, b, n_nodes):
    # per-edge message: linear([x_dst, x_src - x_dst]) then scatter-add to dst
    msg = jnp.concatenate([x[dst], x[src] - x[dst]], axis=1) @ W + b
    return jax.ops.segment_sum(msg, dst, num_segments=n_nodes)


def reference(x, edge_index, W1, b1, gamma, beta, W2, b2):
    src = edge_index[0]
    dst = edge_index[1]
    h = _edge_conv(x, src, dst, W1, b1, N)
    # BatchNorm1d over node dimension (eval-style using batch stats)
    mean = jnp.mean(h, axis=0)
    var = jnp.var(h, axis=0)
    h = (h - mean) / jnp.sqrt(var + 1e-5) * gamma + beta
    h = jax.nn.relu(h)
    # Dropout is identity in eval mode
    out = _edge_conv(h, src, dst, W2, b2, N)
    return out

if __name__ == "__main__":
    import jax
    _d = setup_inputs()
    print(jax.jit(kernel)(*tuple(_d.values())))

</pallas_src>

<mosaic_0001>
#map = affine_map<(d0, d1) -> (0, 0)>
#map1 = affine_map<(d0, d1) -> (0, 0, 0)>
module attributes {stable_mosaic.version = 14 : i64} {
  func.func @body(%arg0: i32, %arg1: i32, %arg2: memref<10000x24xf32, #tpu.memory_space<hbm>>, %arg3: memref<2560x128xi32, #tpu.memory_space<hbm>>, %arg4: memref<2560x128xi32, #tpu.memory_space<hbm>>, %arg5: memref<10112x24xf32, #tpu.memory_space<hbm>>, %arg6: memref<2x10112x24xf32, #tpu.memory_space<hbm>>, %arg7: memref<152x128xi32, #tpu.memory_space<vmem>>, %arg8: memref<152x128xi32, #tpu.memory_space<vmem>>, %arg9: memref<128x24xf32, #tpu.memory_space<vmem>>, %arg10: memref<128x24xf32, #tpu.memory_space<vmem>>, %arg11: memref<128x24xf32, #tpu.memory_space<vmem>>, %arg12: memref<128x24xf32, #tpu.memory_space<vmem>>, %arg13: memref<10112x24xf32, #tpu.memory_space<vmem_shared>>, %arg14: memref<!tpu.dma_semaphore, #tpu.memory_space<semaphore_mem>>, %arg15: memref<!tpu.dma_semaphore, #tpu.memory_space<semaphore_mem>>, %arg16: memref<!tpu.dma_semaphore, #tpu.memory_space<semaphore_mem>>, %arg17: memref<!tpu.dma_semaphore, #tpu.memory_space<semaphore_mem>>) attributes {dimension_semantics = [#tpu.dimension_semantics<core_parallel>, #tpu.dimension_semantics<subcore_parallel>], iteration_bounds = array<i64: 2, 16>, scalar_prefetch = 0 : i64, scratch_operands = 11 : i64, tpu.core_type = #tpu.core_type<sc_vector_subcore>, window_params = [{transform_indices = #map}, {transform_indices = #map}, {transform_indices = #map}, {transform_indices = #map}, {transform_indices = #map1}]} {
    %mul3A = arith.constant 632 : i32
    %mul3A_0 = arith.muli %arg1, %mul3A : i32
    %mul3A_1 = arith.constant 632 : i32
    %mul3A_2 = arith.muli %arg1, %mul3A_1 : i32
    "tpu.region"() ({
      %run_scoped3A = tpu.sem_alloc : memref<!tpu.dma_semaphore, #tpu.memory_space<semaphore_mem>>
      %dma_start3A_80 = arith.constant 0 : i32
      %dma_start3A_81 = tpu.memref_slice %arg13[%mul3A_2, %dma_start3A_80] : memref<10112x24xf32, #tpu.memory_space<vmem_shared>> -> memref<632x24xf32, #tpu.memory_space<vmem_shared>>
      %dma_start3A_82 = arith.constant 0 : i32
      %dma_start3A_83 = tpu.memref_slice %arg5[%mul3A_0, %dma_start3A_82] : memref<10112x24xf32, #tpu.memory_space<hbm>> -> memref<632x24xf32, #tpu.memory_space<hbm>>
      tpu.enqueue_dma source(%dma_start3A_83 : memref<632x24xf32, #tpu.memory_space<hbm>>) target(%dma_start3A_81 : memref<632x24xf32, #tpu.memory_space<vmem_shared>>) target_semaphore(%run_scoped3A : memref<!tpu.dma_semaphore, #tpu.memory_space<semaphore_mem>>)
      %dma_wait3A = arith.constant 0 : i32
      %dma_wait3A_84 = tpu.memref_slice %arg13[%mul3A_2, %dma_wait3A] : memref<10112x24xf32, #tpu.memory_space<vmem_shared>> -> memref<632x24xf32, #tpu.memory_space<vmem_shared>>
      %dma_wait3A_85 = arith.constant 0 : i32
      %dma_wait3A_86 = tpu.memref_slice %arg5[%mul3A_0, %dma_wait3A_85] : memref<10112x24xf32, #tpu.memory_space<hbm>> -> memref<632x24xf32, #tpu.memory_space<hbm>>
      tpu.wait_dma2 semaphore(%run_scoped3A : memref<!tpu.dma_semaphore, #tpu.memory_space<semaphore_mem>>) src(%dma_wait3A_86 : memref<632x24xf32, #tpu.memory_space<hbm>>) dst(%dma_wait3A_84 : memref<632x24xf32, #tpu.memory_space<vmem_shared>>)
      tpu.yield
    }) : () -> ()
    %eq3A = arith.constant 0 : i32
    %eq3A_3 = arith.cmpi eq, %arg0, %eq3A : i32
    %select_n3A = arith.constant 8 : i32
    %select_n3A_4 = arith.constant 152 : i32
    %select_n3A_5 = arith.select %eq3A_3, %select_n3A_4, %select_n3A : i32
    %eq3A_6 = arith.constant 0 : i32
    %eq3A_7 = arith.cmpi eq, %arg0, %eq3A_6 : i32
    %mul3A_8 = arith.constant 152 : i32
    %mul3A_9 = arith.muli %arg1, %mul3A_8 : i32
    %mul3A_10 = arith.constant 8 : i32
    %mul3A_11 = arith.muli %arg1, %mul3A_10 : i32
    %add3A = arith.constant 2432 : i32
    %add3A_12 = arith.addi %add3A, %mul3A_11 : i32
    %select_n3A_13 = arith.select %eq3A_7, %mul3A_9, %add3A_12 : i32
    %eq3A_14 = arith.constant 0 : i32
    %eq3A_15 = arith.cmpi eq, %arg0, %eq3A_14 : i32
    %convert_element_type3A = arith.extui %eq3A_15 : i1 to i32
    %cond3A = arith.constant 0 : i32
    %cond3A_16 = arith.cmpi ne, %convert_element_type3A, %cond3A : i32
    scf.if %cond3A_16 {
      "tpu.region"() ({
        %run_scoped3A = tpu.sem_alloc : memref<!tpu.dma_semaphore, #tpu.memory_space<semaphore_mem>>
        %dma_start3A_80 = arith.constant 0 : i32
        %dma_start3A_81 = arith.constant 0 : i32
        %dma_start3A_82 = tpu.memref_slice %arg7[%dma_start3A_80, %dma_start3A_81] : memref<152x128xi32, #tpu.memory_space<vmem>> -> memref<152x128xi32, #tpu.memory_space<vmem>>
        %dma_start3A_83 = arith.constant 0 : i32
        %dma_start3A_84 = tpu.memref_slice %arg3[%select_n3A_13, %dma_start3A_83] : memref<2560x128xi32, #tpu.memory_space<hbm>> -> memref<152x128xi32, #tpu.memory_space<hbm>>
        %dma_start3A_85 = arith.constant 0 : i32
        %dma_start3A_86 = arith.constant 0 : i32
        %dma_start3A_87 = tpu.memref_slice %arg7[%dma_start3A_85, %dma_start3A_86] : memref<152x128xi32, #tpu.memory_space<vmem>> -> memref<152x128xi32, #tpu.memory_space<vmem>>
        %dma_start3A_88 = arith.constant 0 : i32
        %dma_start3A_89 = tpu.memref_slice %arg3[%select_n3A_13, %dma_start3A_88] : memref<2560x128xi32, #tpu.memory_space<hbm>> -> memref<152x128xi32, #tpu.memory_space<hbm>>
        tpu.enqueue_dma source(%dma_start3A_89 : memref<152x128xi32, #tpu.memory_space<hbm>>) target(%dma_start3A_87 : memref<152x128xi32, #tpu.memory_space<vmem>>) target_semaphore(%run_scoped3A : memref<!tpu.dma_semaphore, #tpu.memory_space<semaphore_mem>>)
        %dma_wait3A = arith.constant 0 : i32
        %dma_wait3A_90 = arith.constant 0 : i32
        %dma_wait3A_91 = tpu.memref_slice %arg7[%dma_wait3A, %dma_wait3A_90] : memref<152x128xi32, #tpu.memory_space<vmem>> -> memref<152x128xi32, #tpu.memory_space<vmem>>
        %dma_wait3A_92 = arith.constant 0 : i32
        %dma_wait3A_93 = tpu.memref_slice %arg3[%select_n3A_13, %dma_wait3A_92] : memref<2560x128xi32, #tpu.memory_space<hbm>> -> memref<152x128xi32, #tpu.memory_space<hbm>>
        %dma_wait3A_94 = arith.constant 0 : i32
        %dma_wait3A_95 = arith.constant 0 : i32
        %dma_wait3A_96 = tpu.memref_slice %arg7[%dma_wait3A_94, %dma_wait3A_95] : memref<152x128xi32, #tpu.memory_space<vmem>> -> memref<152x128xi32, #tpu.memory_space<vmem>>
        %dma_wait3A_97 = arith.constant 0 : i32
        %dma_wait3A_98 = tpu.memref_slice %arg3[%select_n3A_13, %dma_wait3A_97] : memref<2560x128xi32, #tpu.memory_space<hbm>> -> memref<152x128xi32, #tpu.memory_space<hbm>>
        tpu.wait_dma2 semaphore(%run_scoped3A : memref<!tpu.dma_semaphore, #tpu.memory_space<semaphore_mem>>) src(%dma_wait3A_98 : memref<152x128xi32, #tpu.memory_space<hbm>>) dst(%dma_wait3A_96 : memref<152x128xi32, #tpu.memory_space<vmem>>)
        tpu.yield
      }) : () -> ()
      "tpu.region"() ({
        %run_scoped3A = tpu.sem_alloc : memref<!tpu.dma_semaphore, #tpu.memory_space<semaphore_mem>>
        %dma_start3A_80 = arith.constant 0 : i32
        %dma_start3A_81 = arith.constant 0 : i32
        %dma_start3A_82 = tpu.memref_slice %arg8[%dma_start3A_80, %dma_start3A_81] : memref<152x128xi32, #tpu.memory_space<vmem>> -> memref<152x128xi32, #tpu.memory_space<vmem>>
        %dma_start3A_83 = arith.constant 0 : i32
        %dma_start3A_84 = tpu.memref_slice %arg4[%select_n3A_13, %dma_start3A_83] : memref<2560x128xi32, #tpu.memory_space<hbm>> -> memref<152x128xi32, #tpu.memory_space<hbm>>
        %dma_start3A_85 = arith.constant 0 : i32
        %dma_start3A_86 = arith.constant 0 : i32
        %dma_start3A_87 = tpu.memref_slice %arg8[%dma_start3A_85, %dma_start3A_86] : memref<152x128xi32, #tpu.memory_space<vmem>> -> memref<152x128xi32, #tpu.memory_space<vmem>>
        %dma_start3A_88 = arith.constant 0 : i32
        %dma_start3A_89 = tpu.memref_slice %arg4[%select_n3A_13, %dma_start3A_88] : memref<2560x128xi32, #tpu.memory_space<hbm>> -> memref<152x128xi32, #tpu.memory_space<hbm>>
        tpu.enqueue_dma source(%dma_start3A_89 : memref<152x128xi32, #tpu.memory_space<hbm>>) target(%dma_start3A_87 : memref<152x128xi32, #tpu.memory_space<vmem>>) target_semaphore(%run_scoped3A : memref<!tpu.dma_semaphore, #tpu.memory_space<semaphore_mem>>)
        %dma_wait3A = arith.constant 0 : i32
        %dma_wait3A_90 = arith.constant 0 : i32
        %dma_wait3A_91 = tpu.memref_slice %arg8[%dma_wait3A, %dma_wait3A_90] : memref<152x128xi32, #tpu.memory_space<vmem>> -> memref<152x128xi32, #tpu.memory_space<vmem>>
        %dma_wait3A_92 = arith.constant 0 : i32
        %dma_wait3A_93 = tpu.memref_slice %arg4[%select_n3A_13, %dma_wait3A_92] : memref<2560x128xi32, #tpu.memory_space<hbm>> -> memref<152x128xi32, #tpu.memory_space<hbm>>
        %dma_wait3A_94 = arith.constant 0 : i32
        %dma_wait3A_95 = arith.constant 0 : i32
        %dma_wait3A_96 = tpu.memref_slice %arg8[%dma_wait3A_94, %dma_wait3A_95] : memref<152x128xi32, #tpu.memory_space<vmem>> -> memref<152x128xi32, #tpu.memory_space<vmem>>
        %dma_wait3A_97 = arith.constant 0 : i32
        %dma_wait3A_98 = tpu.memref_slice %arg4[%select_n3A_13, %dma_wait3A_97] : memref<2560x128xi32, #tpu.memory_space<hbm>> -> memref<152x128xi32, #tpu.memory_space<hbm>>
        tpu.wait_dma2 semaphore(%run_scoped3A : memref<!tpu.dma_semaphore, #tpu.memory_space<semaphore_mem>>) src(%dma_wait3A_98 : memref<152x128xi32, #tpu.memory_space<hbm>>) dst(%dma_wait3A_96 : memref<152x128xi32, #tpu.memory_space<vmem>>)
        tpu.yield
      }) : () -> ()
    } else {
    }
    %eq3A_17 = arith.constant 1 : i32
    %eq3A_18 = arith.cmpi eq, %arg0, %eq3A_17 : i32
    %convert_element_type3A_19 = arith.extui %eq3A_18 : i1 to i32
    %cond3A_20 = arith.constant 0 : i32
    %cond3A_21 = arith.cmpi ne, %convert_element_type3A_19, %cond3A_20 : i32
    scf.if %cond3A_21 {
      "tpu.region"() ({
        %run_scoped3A = tpu.sem_alloc : memref<!tpu.dma_semaphore, #tpu.memory_space<semaphore_mem>>
        %dma_start3A_80 = arith.constant 0 : i32
        %dma_start3A_81 = arith.constant 0 : i32
        %dma_start3A_82 = tpu.memref_slice %arg7[%dma_start3A_80, %dma_start3A_81] : memref<152x128xi32, #tpu.memory_space<vmem>> -> memref<8x128xi32, #tpu.memory_space<vmem>>
        %dma_start3A_83 = arith.constant 0 : i32
        %dma_start3A_84 = tpu.memref_slice %arg3[%select_n3A_13, %dma_start3A_83] : memref<2560x128xi32, #tpu.memory_space<hbm>> -> memref<8x128xi32, #tpu.memory_space<hbm>>
        %dma_start3A_85 = arith.constant 0 : i32
        %dma_start3A_86 = arith.constant 0 : i32
        %dma_start3A_87 = tpu.memref_slice %arg7[%dma_start3A_85, %dma_start3A_86] : memref<152x128xi32, #tpu.memory_space<vmem>> -> memref<8x128xi32, #tpu.memory_space<vmem>>
        %dma_start3A_88 = arith.constant 0 : i32
        %dma_start3A_89 = tpu.memref_slice %arg3[%select_n3A_13, %dma_start3A_88] : memref<2560x128xi32, #tpu.memory_space<hbm>> -> memref<8x128xi32, #tpu.memory_space<hbm>>
        tpu.enqueue_dma source(%dma_start3A_89 : memref<8x128xi32, #tpu.memory_space<hbm>>) target(%dma_start3A_87 : memref<8x128xi32, #tpu.memory_space<vmem>>) target_semaphore(%run_scoped3A : memref<!tpu.dma_semaphore, #tpu.memory_space<semaphore_mem>>)
        %dma_wait3A = arith.constant 0 : i32
        %dma_wait3A_90 = arith.constant 0 : i32
        %dma_wait3A_91 = tpu.memref_slice %arg7[%dma_wait3A, %dma_wait3A_90] : memref<152x128xi32, #tpu.memory_space<vmem>> -> memref<8x128xi32, #tpu.memory_space<vmem>>
        %dma_wait3A_92 = arith.constant 0 : i32
        %dma_wait3A_93 = tpu.memref_slice %arg3[%select_n3A_13, %dma_wait3A_92] : memref<2560x128xi32, #tpu.memory_space<hbm>> -> memref<8x128xi32, #tpu.memory_space<hbm>>
        %dma_wait3A_94 = arith.constant 0 : i32
        %dma_wait3A_95 = arith.constant 0 : i32
        %dma_wait3A_96 = tpu.memref_slice %arg7[%dma_wait3A_94, %dma_wait3A_95] : memref<152x128xi32, #tpu.memory_space<vmem>> -> memref<8x128xi32, #tpu.memory_space<vmem>>
        %dma_wait3A_97 = arith.constant 0 : i32
        %dma_wait3A_98 = tpu.memref_slice %arg3[%select_n3A_13, %dma_wait3A_97] : memref<2560x128xi32, #tpu.memory_space<hbm>> -> memref<8x128xi32, #tpu.memory_space<hbm>>
        tpu.wait_dma2 semaphore(%run_scoped3A : memref<!tpu.dma_semaphore, #tpu.memory_space<semaphore_mem>>) src(%dma_wait3A_98 : memref<8x128xi32, #tpu.memory_space<hbm>>) dst(%dma_wait3A_96 : memref<8x128xi32, #tpu.memory_space<vmem>>)
        tpu.yield
      }) : () -> ()
      "tpu.region"() ({
        %run_scoped3A = tpu.sem_alloc : memref<!tpu.dma_semaphore, #tpu.memory_space<semaphore_mem>>
        %dma_start3A_80 = arith.constant 0 : i32
        %dma_start3A_81 = arith.constant 0 : i32
        %dma_start3A_82 = tpu.memref_slice %arg8[%dma_start3A_80, %dma_start3A_81] : memref<152x128xi32, #tpu.memory_space<vmem>> -> memref<8x128xi32, #tpu.memory_space<vmem>>
        %dma_start3A_83 = arith.constant 0 : i32
        %dma_start3A_84 = tpu.memref_slice %arg4[%select_n3A_13, %dma_start3A_83] : memref<2560x128xi32, #tpu.memory_space<hbm>> -> memref<8x128xi32, #tpu.memory_space<hbm>>
        %dma_start3A_85 = arith.constant 0 : i32
        %dma_start3A_86 = arith.constant 0 : i32
        %dma_start3A_87 = tpu.memref_slice %arg8[%dma_start3A_85, %dma_start3A_86] : memref<152x128xi32, #tpu.memory_space<vmem>> -> memref<8x128xi32, #tpu.memory_space<vmem>>
        %dma_start3A_88 = arith.constant 0 : i32
        %dma_start3A_89 = tpu.memref_slice %arg4[%select_n3A_13, %dma_start3A_88] : memref<2560x128xi32, #tpu.memory_space<hbm>> -> memref<8x128xi32, #tpu.memory_space<hbm>>
        tpu.enqueue_dma source(%dma_start3A_89 : memref<8x128xi32, #tpu.memory_space<hbm>>) target(%dma_start3A_87 : memref<8x128xi32, #tpu.memory_space<vmem>>) target_semaphore(%run_scoped3A : memref<!tpu.dma_semaphore, #tpu.memory_space<semaphore_mem>>)
        %dma_wait3A = arith.constant 0 : i32
        %dma_wait3A_90 = arith.constant 0 : i32
        %dma_wait3A_91 = tpu.memref_slice %arg8[%dma_wait3A, %dma_wait3A_90] : memref<152x128xi32, #tpu.memory_space<vmem>> -> memref<8x128xi32, #tpu.memory_space<vmem>>
        %dma_wait3A_92 = arith.constant 0 : i32
        %dma_wait3A_93 = tpu.memref_slice %arg4[%select_n3A_13, %dma_wait3A_92] : memref<2560x128xi32, #tpu.memory_space<hbm>> -> memref<8x128xi32, #tpu.memory_space<hbm>>
        %dma_wait3A_94 = arith.constant 0 : i32
        %dma_wait3A_95 = arith.constant 0 : i32
        %dma_wait3A_96 = tpu.memref_slice %arg8[%dma_wait3A_94, %dma_wait3A_95] : memref<152x128xi32, #tpu.memory_space<vmem>> -> memref<8x128xi32, #tpu.memory_space<vmem>>
        %dma_wait3A_97 = arith.constant 0 : i32
        %dma_wait3A_98 = tpu.memref_slice %arg4[%select_n3A_13, %dma_wait3A_97] : memref<2560x128xi32, #tpu.memory_space<hbm>> -> memref<8x128xi32, #tpu.memory_space<hbm>>
        tpu.wait_dma2 semaphore(%run_scoped3A : memref<!tpu.dma_semaphore, #tpu.memory_space<semaphore_mem>>) src(%dma_wait3A_98 : memref<8x128xi32, #tpu.memory_space<hbm>>) dst(%dma_wait3A_96 : memref<8x128xi32, #tpu.memory_space<vmem>>)
        tpu.yield
      }) : () -> ()
    } else {
    }
    %barrier3A = arith.constant 0 : index
    tpu.barrier barrier_id(%barrier3A)
    %dma_start3A = arith.constant 0 : i32
    %dma_start3A_22 = arith.constant 0 : i32
    %dma_start3A_23 = tpu.memref_slice %arg7[%dma_start3A, %dma_start3A_22] : memref<152x128xi32, #tpu.memory_space<vmem>> -> memref<1x128xi32, #tpu.memory_space<vmem>>
    %dma_start3A_24 = tpu.memref_squeeze %dma_start3A_23 : memref<1x128xi32, #tpu.memory_space<vmem>> -> memref<128xi32, #tpu.memory_space<vmem>>
    %dma_start3A_25 = arith.constant 0 : i32
    %dma_start3A_26 = arith.constant 0 : i32
    %dma_start3A_27 = tpu.memref_slice %arg2[%dma_start3A_25, %dma_start3A_26] : memref<10000x24xf32, #tpu.memory_space<hbm>> -> memref<10000x24xf32, #tpu.memory_space<hbm>>
    tpu.enqueue_indirect_dma source(%dma_start3A_27 : memref<10000x24xf32, #tpu.memory_space<hbm>>) target(%arg9 : memref<128x24xf32, #tpu.memory_space<vmem>>) offsets(%dma_start3A_24 : memref<128xi32, #tpu.memory_space<vmem>>) semaphore(%arg14 : memref<!tpu.dma_semaphore, #tpu.memory_space<semaphore_mem>>)
    %dma_start3A_28 = arith.constant 1 : i32
    %dma_start3A_29 = arith.constant 0 : i32
    %dma_start3A_30 = tpu.memref_slice %arg7[%dma_start3A_28, %dma_start3A_29] : memref<152x128xi32, #tpu.memory_space<vmem>> -> memref<1x128xi32, #tpu.memory_space<vmem>>
    %dma_start3A_31 = tpu.memref_squeeze %dma_start3A_30 : memref<1x128xi32, #tpu.memory_space<vmem>> -> memref<128xi32, #tpu.memory_space<vmem>>
    %dma_start3A_32 = arith.constant 0 : i32
    %dma_start3A_33 = arith.constant 0 : i32
    %dma_start3A_34 = tpu.memref_slice %arg2[%dma_start3A_32, %dma_start3A_33] : memref<10000x24xf32, #tpu.memory_space<hbm>> -> memref<10000x24xf32, #tpu.memory_space<hbm>>
    tpu.enqueue_indirect_dma source(%dma_start3A_34 : memref<10000x24xf32, #tpu.memory_space<hbm>>) target(%arg10 : memref<128x24xf32, #tpu.memory_space<vmem>>) offsets(%dma_start3A_31 : memref<128xi32, #tpu.memory_space<vmem>>) semaphore(%arg15 : memref<!tpu.dma_semaphore, #tpu.memory_space<semaphore_mem>>)
    %dma_start3A_35 = arith.constant 2 : i32
    %dma_start3A_36 = arith.constant 0 : i32
    %dma_start3A_37 = tpu.memref_slice %arg7[%dma_start3A_35, %dma_start3A_36] : memref<152x128xi32, #tpu.memory_space<vmem>> -> memref<1x128xi32, #tpu.memory_space<vmem>>
    %dma_start3A_38 = tpu.memref_squeeze %dma_start3A_37 : memref<1x128xi32, #tpu.memory_space<vmem>> -> memref<128xi32, #tpu.memory_space<vmem>>
    %dma_start3A_39 = arith.constant 0 : i32
    %dma_start3A_40 = arith.constant 0 : i32
    %dma_start3A_41 = tpu.memref_slice %arg2[%dma_start3A_39, %dma_start3A_40] : memref<10000x24xf32, #tpu.memory_space<hbm>> -> memref<10000x24xf32, #tpu.memory_space<hbm>>
    tpu.enqueue_indirect_dma source(%dma_start3A_41 : memref<10000x24xf32, #tpu.memory_space<hbm>>) target(%arg11 : memref<128x24xf32, #tpu.memory_space<vmem>>) offsets(%dma_start3A_38 : memref<128xi32, #tpu.memory_space<vmem>>) semaphore(%arg16 : memref<!tpu.dma_semaphore, #tpu.memory_space<semaphore_mem>>)
    %dma_start3A_42 = arith.constant 3 : i32
    %dma_start3A_43 = arith.constant 0 : i32
    %dma_start3A_44 = tpu.memref_slice %arg7[%dma_start3A_42, %dma_start3A_43] : memref<152x128xi32, #tpu.memory_space<vmem>> -> memref<1x128xi32, #tpu.memory_space<vmem>>
    %dma_start3A_45 = tpu.memref_squeeze %dma_start3A_44 : memref<1x128xi32, #tpu.memory_space<vmem>> -> memref<128xi32, #tpu.memory_space<vmem>>
    %dma_start3A_46 = arith.constant 0 : i32
    %dma_start3A_47 = arith.constant 0 : i32
    %dma_start3A_48 = tpu.memref_slice %arg2[%dma_start3A_46, %dma_start3A_47] : memref<10000x24xf32, #tpu.memory_space<hbm>> -> memref<10000x24xf32, #tpu.memory_space<hbm>>
    tpu.enqueue_indirect_dma source(%dma_start3A_48 : memref<10000x24xf32, #tpu.memory_space<hbm>>) target(%arg12 : memref<128x24xf32, #tpu.memory_space<vmem>>) offsets(%dma_start3A_45 : memref<128xi32, #tpu.memory_space<vmem>>) semaphore(%arg17 : memref<!tpu.dma_semaphore, #tpu.memory_space<semaphore_mem>>)
    %jit3A = arith.constant 4 : i32
    %div3A = arith.divsi %select_n3A_5, %jit3A : i32
    %sign3A = arith.constant 0 : i32
    %sign3A_49 = arith.cmpi sgt, %select_n3A_5, %sign3A : i32
    %sign3A_50 = arith.extui %sign3A_49 : i1 to i32
    %sign3A_51 = arith.constant 0 : i32
    %sign3A_52 = arith.cmpi slt, %select_n3A_5, %sign3A_51 : i32
    %sign3A_53 = arith.extui %sign3A_52 : i1 to i32
    %sign3A_54 = arith.subi %sign3A_50, %sign3A_53 : i32
    %sign3A_55 = arith.constant 0 : i32
    %sign3A_56 = arith.cmpi sgt, %jit3A, %sign3A_55 : i32
    %sign3A_57 = arith.extui %sign3A_56 : i1 to i32
    %sign3A_58 = arith.constant 0 : i32
    %sign3A_59 = arith.cmpi slt, %jit3A, %sign3A_58 : i32
    %sign3A_60 = arith.extui %sign3A_59 : i1 to i32
    %sign3A_61 = arith.subi %sign3A_57, %sign3A_60 : i32
    %ne3A = arith.cmpi ne, %sign3A_54, %sign3A_61 : i32
    %rem3A = arith.remsi %select_n3A_5, %jit3A : i32
    %ne3A_62 = arith.constant 0 : i32
    %ne3A_63 = arith.cmpi ne, %rem3A, %ne3A_62 : i32
    %and3A = arith.andi %ne3A, %ne3A_63 : i1
    %sub3A = arith.constant 1 : i32
    %sub3A_64 = arith.subi %div3A, %sub3A : i32
    %select_n3A_65 = arith.select %and3A, %sub3A_64, %div3A : i32
    %while3A = arith.constant 0 : i32
    %while3A_66 = arith.constant 0 : i32
    %while3A_67 = arith.subi %select_n3A_65, %while3A_66 : i32
    %while3A_68 = arith.addi %while3A_66, %while3A_67 : i32
    %while3A_69 = arith.constant 1 : i32
    %while3A_70 = arith.divsi %while3A_67, %while3A_69 : i32
    %while3A_71 = arith.muli %while3A_70, %while3A_69 : i32
    %while3A_72 = arith.addi %while3A_66, %while3A_71 : i32
    %while3A_73 = arith.constant 1 : i32
    scf.for %while3A_80 = %while3A_66 to %while3A_72 step %while3A_73  : i32 {
      %mul3A_81 = arith.constant 4 : i32
      %mul3A_82 = arith.muli %while3A_80, %mul3A_81 : i32
      %dma_wait3A = arith.constant 0 : i32
      %dma_wait3A_83 = arith.constant 0 : i32
      %dma_wait3A_84 = tpu.memref_slice %arg7[%dma_wait3A, %dma_wait3A_83] : memref<152x128xi32, #tpu.memory_space<vmem>> -> memref<1x128xi32, #tpu.memory_space<vmem>>
      %dma_wait3A_85 = tpu.memref_squeeze %dma_wait3A_84 : memref<1x128xi32, #tpu.memory_space<vmem>> -> memref<128xi32, #tpu.memory_space<vmem>>
      %dma_wait3A_86 = arith.constant 0 : i32
      %dma_wait3A_87 = arith.constant 0 : i32
      %dma_wait3A_88 = tpu.memref_slice %arg2[%dma_wait3A_86, %dma_wait3A_87] : memref<10000x24xf32, #tpu.memory_space<hbm>> -> memref<10000x24xf32, #tpu.memory_space<hbm>>
      tpu.wait_indirect_dma semaphore(%arg14 : memref<!tpu.dma_semaphore, #tpu.memory_space<semaphore_mem>>) src(%dma_wait3A_88 : memref<10000x24xf32, #tpu.memory_space<hbm>>) dst(%arg9 : memref<128x24xf32, #tpu.memory_space<vmem>>)
      %add3A_89 = arith.constant 0 : i32
      %add3A_90 = arith.addi %mul3A_82, %add3A_89 : i32
      "tpu.region"() ({
        %run_scoped3A = tpu.sem_alloc : memref<!tpu.dma_semaphore, #tpu.memory_space<semaphore_mem>>
        %dma_start3A_149 = arith.constant 0 : i32
        %dma_start3A_150 = tpu.memref_slice %arg8[%add3A_90, %dma_start3A_149] : memref<152x128xi32, #tpu.memory_space<vmem>> -> memref<1x128xi32, #tpu.memory_space<vmem>>
        %dma_start3A_151 = tpu.memref_squeeze %dma_start3A_150 : memref<1x128xi32, #tpu.memory_space<vmem>> -> memref<128xi32, #tpu.memory_space<vmem>>
        %dma_start3A_152 = arith.constant 0 : i32
        %dma_start3A_153 = arith.constant 0 : i32
        %dma_start3A_154 = tpu.memref_slice %arg13[%dma_start3A_152, %dma_start3A_153] : memref<10112x24xf32, #tpu.memory_space<vmem_shared>> -> memref<10112x24xf32, #tpu.memory_space<vmem_shared>>
        tpu.enqueue_indirect_dma source(%arg9 : memref<128x24xf32, #tpu.memory_space<vmem>>) target(%dma_start3A_154 : memref<10112x24xf32, #tpu.memory_space<vmem_shared>>) offsets(%dma_start3A_151 : memref<128xi32, #tpu.memory_space<vmem>>) semaphore(%run_scoped3A : memref<!tpu.dma_semaphore, #tpu.memory_space<semaphore_mem>>) {add = true}
        %dma_wait3A_155 = arith.constant 0 : i32
        %dma_wait3A_156 = tpu.memref_slice %arg8[%add3A_90, %dma_wait3A_155] : memref<152x128xi32, #tpu.memory_space<vmem>> -> memref<1x128xi32, #tpu.memory_space<vmem>>
        %dma_wait3A_157 = tpu.memref_squeeze %dma_wait3A_156 : memref<1x128xi32, #tpu.memory_space<vmem>> -> memref<128xi32, #tpu.memory_space<vmem>>
        %dma_wait3A_158 = arith.constant 0 : i32
        %dma_wait3A_159 = arith.constant 0 : i32
        %dma_wait3A_160 = tpu.memref_slice %arg13[%dma_wait3A_158, %dma_wait3A_159] : memref<10112x24xf32, #tpu.memory_space<vmem_shared>> -> memref<10112x24xf32, #tpu.memory_space<vmem_shared>>
        tpu.wait_indirect_dma semaphore(%run_scoped3A : memref<!tpu.dma_semaphore, #tpu.memory_space<semaphore_mem>>) src(%arg9 : memref<128x24xf32, #tpu.memory_space<vmem>>) dst(%dma_wait3A_160 : memref<10112x24xf32, #tpu.memory_space<vmem_shared>>)
        tpu.yield
      }) : () -> ()
      %add3A_91 = arith.constant 4 : i32
      %add3A_92 = arith.addi %mul3A_82, %add3A_91 : i32
      %add3A_93 = arith.constant 0 : i32
      %add3A_94 = arith.addi %add3A_92, %add3A_93 : i32
      %lt3A = arith.cmpi slt, %add3A_94, %select_n3A_5 : i32
      %convert_element_type3A_95 = arith.extui %lt3A : i1 to i32
      %cond3A_96 = arith.constant 0 : i32
      %cond3A_97 = arith.cmpi ne, %convert_element_type3A_95, %cond3A_96 : i32
      scf.if %cond3A_97 {
        %add3A_149 = arith.constant 4 : i32
        %add3A_150 = arith.addi %mul3A_82, %add3A_149 : i32
        %add3A_151 = arith.constant 0 : i32
        %add3A_152 = arith.addi %add3A_150, %add3A_151 : i32
        %dma_start3A_153 = arith.constant 0 : i32
        %dma_start3A_154 = tpu.memref_slice %arg7[%add3A_152, %dma_start3A_153] : memref<152x128xi32, #tpu.memory_space<vmem>> -> memref<1x128xi32, #tpu.memory_space<vmem>>
        %dma_start3A_155 = tpu.memref_squeeze %dma_start3A_154 : memref<1x128xi32, #tpu.memory_space<vmem>> -> memref<128xi32, #tpu.memory_space<vmem>>
        %dma_start3A_156 = arith.constant 0 : i32
        %dma_start3A_157 = arith.constant 0 : i32
        %dma_start3A_158 = tpu.memref_slice %arg2[%dma_start3A_156, %dma_start3A_157] : memref<10000x24xf32, #tpu.memory_space<hbm>> -> memref<10000x24xf32, #tpu.memory_space<hbm>>
        tpu.enqueue_indirect_dma source(%dma_start3A_158 : memref<10000x24xf32, #tpu.memory_space<hbm>>) target(%arg9 : memref<128x24xf32, #tpu.memory_space<vmem>>) offsets(%dma_start3A_155 : memref<128xi32, #tpu.memory_space<vmem>>) semaphore(%arg14 : memref<!tpu.dma_semaphore, #tpu.memory_space<semaphore_mem>>)
      } else {
      }
      %dma_wait3A_98 = arith.constant 0 : i32
      %dma_wait3A_99 = arith.constant 0 : i32
      %dma_wait3A_100 = tpu.memref_slice %arg7[%dma_wait3A_98, %dma_wait3A_99] : memref<152x128xi32, #tpu.memory_space<vmem>> -> memref<1x128xi32, #tpu.memory_space<vmem>>
      %dma_wait3A_101 = tpu.memref_squeeze %dma_wait3A_100 : memref<1x128xi32, #tpu.memory_space<vmem>> -> memref<128xi32, #tpu.memory_space<vmem>>
      %dma_wait3A_102 = arith.constant 0 : i32
      %dma_wait3A_103 = arith.constant 0 : i32
      %dma_wait3A_104 = tpu.memref_slice %arg2[%dma_wait3A_102, %dma_wait3A_103] : memref<10000x24xf32, #tpu.memory_space<hbm>> -> memref<10000x24xf32, #tpu.memory_space<hbm>>
      tpu.wait_indirect_dma semaphore(%arg15 : memref<!tpu.dma_semaphore, #tpu.memory_space<semaphore_mem>>) src(%dma_wait3A_104 : memref<10000x24xf32, #tpu.memory_space<hbm>>) dst(%arg10 : memref<128x24xf32, #tpu.memory_space<vmem>>)
      %add3A_105 = arith.constant 1 : i32
      %add3A_106 = arith.addi %mul3A_82, %add3A_105 : i32
      "tpu.region"() ({
        %run_scoped3A = tpu.sem_alloc : memref<!tpu.dma_semaphore, #tpu.memory_space<semaphore_mem>>
        %dma_start3A_149 = arith.constant 0 : i32
        %dma_start3A_150 = tpu.memref_slice %arg8[%add3A_106, %dma_start3A_149] : memref<152x128xi32, #tpu.memory_space<vmem>> -> memref<1x128xi32, #tpu.memory_space<vmem>>
        %dma_start3A_151 = tpu.memref_squeeze %dma_start3A_150 : memref<1x128xi32, #tpu.memory_space<vmem>> -> memref<128xi32, #tpu.memory_space<vmem>>
        %dma_start3A_152 = arith.constant 0 : i32
        %dma_start3A_153 = arith.constant 0 : i32
        %dma_start3A_154 = tpu.memref_slice %arg13[%dma_start3A_152, %dma_start3A_153] : memref<10112x24xf32, #tpu.memory_space<vmem_shared>> -> memref<10112x24xf32, #tpu.memory_space<vmem_shared>>
        tpu.enqueue_indirect_dma source(%arg10 : memref<128x24xf32, #tpu.memory_space<vmem>>) target(%dma_start3A_154 : memref<10112x24xf32, #tpu.memory_space<vmem_shared>>) offsets(%dma_start3A_151 : memref<128xi32, #tpu.memory_space<vmem>>) semaphore(%run_scoped3A : memref<!tpu.dma_semaphore, #tpu.memory_space<semaphore_mem>>) {add = true}
        %dma_wait3A_155 = arith.constant 0 : i32
        %dma_wait3A_156 = tpu.memref_slice %arg8[%add3A_106, %dma_wait3A_155] : memref<152x128xi32, #tpu.memory_space<vmem>> -> memref<1x128xi32, #tpu.memory_space<vmem>>
        %dma_wait3A_157 = tpu.memref_squeeze %dma_wait3A_156 : memref<1x128xi32, #tpu.memory_space<vmem>> -> memref<128xi32, #tpu.memory_space<vmem>>
        %dma_wait3A_158 = arith.constant 0 : i32
        %dma_wait3A_159 = arith.constant 0 : i32
        %dma_wait3A_160 = tpu.memref_slice %arg13[%dma_wait3A_158, %dma_wait3A_159] : memref<10112x24xf32, #tpu.memory_space<vmem_shared>> -> memref<10112x24xf32, #tpu.memory_space<vmem_shared>>
        tpu.wait_indirect_dma semaphore(%run_scoped3A : memref<!tpu.dma_semaphore, #tpu.memory_space<semaphore_mem>>) src(%arg10 : memref<128x24xf32, #tpu.memory_space<vmem>>) dst(%dma_wait3A_160 : memref<10112x24xf32, #tpu.memory_space<vmem_shared>>)
        tpu.yield
      }) : () -> ()
      %add3A_107 = arith.constant 4 : i32
      %add3A_108 = arith.addi %mul3A_82, %add3A_107 : i32
      %add3A_109 = arith.constant 1 : i32
      %add3A_110 = arith.addi %add3A_108, %add3A_109 : i32
      %lt3A_111 = arith.cmpi slt, %add3A_110, %select_n3A_5 : i32
      %convert_element_type3A_112 = arith.extui %lt3A_111 : i1 to i32
      %cond3A_113 = arith.constant 0 : i32
      %cond3A_114 = arith.cmpi ne, %convert_element_type3A_112, %cond3A_113 : i32
      scf.if %cond3A_114 {
        %add3A_149 = arith.constant 4 : i32
        %add3A_150 = arith.addi %mul3A_82, %add3A_149 : i32
        %add3A_151 = arith.constant 1 : i32
        %add3A_152 = arith.addi %add3A_150, %add3A_151 : i32
        %dma_start3A_153 = arith.constant 0 : i32
        %dma_start3A_154 = tpu.memref_slice %arg7[%add3A_152, %dma_start3A_153] : memref<152x128xi32, #tpu.memory_space<vmem>> -> memref<1x128xi32, #tpu.memory_space<vmem>>
        %dma_start3A_155 = tpu.memref_squeeze %dma_start3A_154 : memref<1x128xi32, #tpu.memory_space<vmem>> -> memref<128xi32, #tpu.memory_space<vmem>>
        %dma_start3A_156 = arith.constant 0 : i32
        %dma_start3A_157 = arith.constant 0 : i32
        %dma_start3A_158 = tpu.memref_slice %arg2[%dma_start3A_156, %dma_start3A_157] : memref<10000x24xf32, #tpu.memory_space<hbm>> -> memref<10000x24xf32, #tpu.memory_space<hbm>>
        tpu.enqueue_indirect_dma source(%dma_start3A_158 : memref<10000x24xf32, #tpu.memory_space<hbm>>) target(%arg10 : memref<128x24xf32, #tpu.memory_space<vmem>>) offsets(%dma_start3A_155 : memref<128xi32, #tpu.memory_space<vmem>>) semaphore(%arg15 : memref<!tpu.dma_semaphore, #tpu.memory_space<semaphore_mem>>)
      } else {
      }
      %dma_wait3A_115 = arith.constant 0 : i32
      %dma_wait3A_116 = arith.constant 0 : i32
      %dma_wait3A_117 = tpu.memref_slice %arg7[%dma_wait3A_115, %dma_wait3A_116] : memref<152x128xi32, #tpu.memory_space<vmem>> -> memref<1x128xi32, #tpu.memory_space<vmem>>
      %dma_wait3A_118 = tpu.memref_squeeze %dma_wait3A_117 : memref<1x128xi32, #tpu.memory_space<vmem>> -> memref<128xi32, #tpu.memory_space<vmem>>
      %dma_wait3A_119 = arith.constant 0 : i32
      %dma_wait3A_120 = arith.constant 0 : i32
      %dma_wait3A_121 = tpu.memref_slice %arg2[%dma_wait3A_119, %dma_wait3A_120] : memref<10000x24xf32, #tpu.memory_space<hbm>> -> memref<10000x24xf32, #tpu.memory_space<hbm>>
      tpu.wait_indirect_dma semaphore(%arg16 : memref<!tpu.dma_semaphore, #tpu.memory_space<semaphore_mem>>) src(%dma_wait3A_121 : memref<10000x24xf32, #tpu.memory_space<hbm>>) dst(%arg11 : memref<128x24xf32, #tpu.memory_space<vmem>>)
      %add3A_122 = arith.constant 2 : i32
      %add3A_123 = arith.addi %mul3A_82, %add3A_122 : i32
      "tpu.region"() ({
        %run_scoped3A = tpu.sem_alloc : memref<!tpu.dma_semaphore, #tpu.memory_space<semaphore_mem>>
        %dma_start3A_149 = arith.constant 0 : i32
        %dma_start3A_150 = tpu.memref_slice %arg8[%add3A_123, %dma_start3A_149] : memref<152x128xi32, #tpu.memory_space<vmem>> -> memref<1x128xi32, #tpu.memory_space<vmem>>
        %dma_start3A_151 = tpu.memref_squeeze %dma_start3A_150 : memref<1x128xi32, #tpu.memory_space<vmem>> -> memref<128xi32, #tpu.memory_space<vmem>>
        %dma_start3A_152 = arith.constant 0 : i32
        %dma_start3A_153 = arith.constant 0 : i32
        %dma_start3A_154 = tpu.memref_slice %arg13[%dma_start3A_152, %dma_start3A_153] : memref<10112x24xf32, #tpu.memory_space<vmem_shared>> -> memref<10112x24xf32, #tpu.memory_space<vmem_shared>>
        tpu.enqueue_indirect_dma source(%arg11 : memref<128x24xf32, #tpu.memory_space<vmem>>) target(%dma_start3A_154 : memref<10112x24xf32, #tpu.memory_space<vmem_shared>>) offsets(%dma_start3A_151 : memref<128xi32, #tpu.memory_space<vmem>>) semaphore(%run_scoped3A : memref<!tpu.dma_semaphore, #tpu.memory_space<semaphore_mem>>) {add = true}
        %dma_wait3A_155 = arith.constant 0 : i32
        %dma_wait3A_156 = tpu.memref_slice %arg8[%add3A_123, %dma_wait3A_155] : memref<152x128xi32, #tpu.memory_space<vmem>> -> memref<1x128xi32, #tpu.memory_space<vmem>>
        %dma_wait3A_157 = tpu.memref_squeeze %dma_wait3A_156 : memref<1x128xi32, #tpu.memory_space<vmem>> -> memref<128xi32, #tpu.memory_space<vmem>>
        %dma_wait3A_158 = arith.constant 0 : i32
        %dma_wait3A_159 = arith.constant 0 : i32
        %dma_wait3A_160 = tpu.memref_slice %arg13[%dma_wait3A_158, %dma_wait3A_159] : memref<10112x24xf32, #tpu.memory_space<vmem_shared>> -> memref<10112x24xf32, #tpu.memory_space<vmem_shared>>
        tpu.wait_indirect_dma semaphore(%run_scoped3A : memref<!tpu.dma_semaphore, #tpu.memory_space<semaphore_mem>>) src(%arg11 : memref<128x24xf32, #tpu.memory_space<vmem>>) dst(%dma_wait3A_160 : memref<10112x24xf32, #tpu.memory_space<vmem_shared>>)
        tpu.yield
      }) : () -> ()
      %add3A_124 = arith.constant 4 : i32
      %add3A_125 = arith.addi %mul3A_82, %add3A_124 : i32
      %add3A_126 = arith.constant 2 : i32
      %add3A_127 = arith.addi %add3A_125, %add3A_126 : i32
      %lt3A_128 = arith.cmpi slt, %add3A_127, %select_n3A_5 : i32
      %convert_element_type3A_129 = arith.extui %lt3A_128 : i1 to i32
      %cond3A_130 = arith.constant 0 : i32
      %cond3A_131 = arith.cmpi ne, %convert_element_type3A_129, %cond3A_130 : i32
      scf.if %cond3A_131 {
        %add3A_149 = arith.constant 4 : i32
        %add3A_150 = arith.addi %mul3A_82, %add3A_149 : i32
        %add3A_151 = arith.constant 2 : i32
        %add3A_152 = arith.addi %add3A_150, %add3A_151 : i32
        %dma_start3A_153 = arith.constant 0 : i32
        %dma_start3A_154 = tpu.memref_slice %arg7[%add3A_152, %dma_start3A_153] : memref<152x128xi32, #tpu.memory_space<vmem>> -> memref<1x128xi32, #tpu.memory_space<vmem>>
        %dma_start3A_155 = tpu.memref_squeeze %dma_start3A_154 : memref<1x128xi32, #tpu.memory_space<vmem>> -> memref<128xi32, #tpu.memory_space<vmem>>
        %dma_start3A_156 = arith.constant 0 : i32
        %dma_start3A_157 = arith.constant 0 : i32
        %dma_start3A_158 = tpu.memref_slice %arg2[%dma_start3A_156, %dma_start3A_157] : memref<10000x24xf32, #tpu.memory_space<hbm>> -> memref<10000x24xf32, #tpu.memory_space<hbm>>
        tpu.enqueue_indirect_dma source(%dma_start3A_158 : memref<10000x24xf32, #tpu.memory_space<hbm>>) target(%arg11 : memref<128x24xf32, #tpu.memory_space<vmem>>) offsets(%dma_start3A_155 : memref<128xi32, #tpu.memory_space<vmem>>) semaphore(%arg16 : memref<!tpu.dma_semaphore, #tpu.memory_space<semaphore_mem>>)
      } else {
      }
      %dma_wait3A_132 = arith.constant 0 : i32
      %dma_wait3A_133 = arith.constant 0 : i32
      %dma_wait3A_134 = tpu.memref_slice %arg7[%dma_wait3A_132, %dma_wait3A_133] : memref<152x128xi32, #tpu.memory_space<vmem>> -> memref<1x128xi32, #tpu.memory_space<vmem>>
      %dma_wait3A_135 = tpu.memref_squeeze %dma_wait3A_134 : memref<1x128xi32, #tpu.memory_space<vmem>> -> memref<128xi32, #tpu.memory_space<vmem>>
      %dma_wait3A_136 = arith.constant 0 : i32
      %dma_wait3A_137 = arith.constant 0 : i32
      %dma_wait3A_138 = tpu.memref_slice %arg2[%dma_wait3A_136, %dma_wait3A_137] : memref<10000x24xf32, #tpu.memory_space<hbm>> -> memref<10000x24xf32, #tpu.memory_space<hbm>>
      tpu.wait_indirect_dma semaphore(%arg17 : memref<!tpu.dma_semaphore, #tpu.memory_space<semaphore_mem>>) src(%dma_wait3A_138 : memref<10000x24xf32, #tpu.memory_space<hbm>>) dst(%arg12 : memref<128x24xf32, #tpu.memory_space<vmem>>)
      %add3A_139 = arith.constant 3 : i32
      %add3A_140 = arith.addi %mul3A_82, %add3A_139 : i32
      "tpu.region"() ({
        %run_scoped3A = tpu.sem_alloc : memref<!tpu.dma_semaphore, #tpu.memory_space<semaphore_mem>>
        %dma_start3A_149 = arith.constant 0 : i32
        %dma_start3A_150 = tpu.memref_slice %arg8[%add3A_140, %dma_start3A_149] : memref<152x128xi32, #tpu.memory_space<vmem>> -> memref<1x128xi32, #tpu.memory_space<vmem>>
        %dma_start3A_151 = tpu.memref_squeeze %dma_start3A_150 : memref<1x128xi32, #tpu.memory_space<vmem>> -> memref<128xi32, #tpu.memory_space<vmem>>
        %dma_start3A_152 = arith.constant 0 : i32
        %dma_start3A_153 = arith.constant 0 : i32
        %dma_start3A_154 = tpu.memref_slice %arg13[%dma_start3A_152, %dma_start3A_153] : memref<10112x24xf32, #tpu.memory_space<vmem_shared>> -> memref<10112x24xf32, #tpu.memory_space<vmem_shared>>
        tpu.enqueue_indirect_dma source(%arg12 : memref<128x24xf32, #tpu.memory_space<vmem>>) target(%dma_start3A_154 : memref<10112x24xf32, #tpu.memory_space<vmem_shared>>) offsets(%dma_start3A_151 : memref<128xi32, #tpu.memory_space<vmem>>) semaphore(%run_scoped3A : memref<!tpu.dma_semaphore, #tpu.memory_space<semaphore_mem>>) {add = true}
        %dma_wait3A_155 = arith.constant 0 : i32
        %dma_wait3A_156 = tpu.memref_slice %arg8[%add3A_140, %dma_wait3A_155] : memref<152x128xi32, #tpu.memory_space<vmem>> -> memref<1x128xi32, #tpu.memory_space<vmem>>
        %dma_wait3A_157 = tpu.memref_squeeze %dma_wait3A_156 : memref<1x128xi32, #tpu.memory_space<vmem>> -> memref<128xi32, #tpu.memory_space<vmem>>
        %dma_wait3A_158 = arith.constant 0 : i32
        %dma_wait3A_159 = arith.constant 0 : i32
        %dma_wait3A_160 = tpu.memref_slice %arg13[%dma_wait3A_158, %dma_wait3A_159] : memref<10112x24xf32, #tpu.memory_space<vmem_shared>> -> memref<10112x24xf32, #tpu.memory_space<vmem_shared>>
        tpu.wait_indirect_dma semaphore(%run_scoped3A : memref<!tpu.dma_semaphore, #tpu.memory_space<semaphore_mem>>) src(%arg12 : memref<128x24xf32, #tpu.memory_space<vmem>>) dst(%dma_wait3A_160 : memref<10112x24xf32, #tpu.memory_space<vmem_shared>>)
        tpu.yield
      }) : () -> ()
      %add3A_141 = arith.constant 4 : i32
      %add3A_142 = arith.addi %mul3A_82, %add3A_141 : i32
      %add3A_143 = arith.constant 3 : i32
      %add3A_144 = arith.addi %add3A_142, %add3A_143 : i32
      %lt3A_145 = arith.cmpi slt, %add3A_144, %select_n3A_5 : i32
      %convert_element_type3A_146 = arith.extui %lt3A_145 : i1 to i32
      %cond3A_147 = arith.constant 0 : i32
      %cond3A_148 = arith.cmpi ne, %convert_element_type3A_146, %cond3A_147 : i32
      scf.if %cond3A_148 {
        %add3A_149 = arith.constant 4 : i32
        %add3A_150 = arith.addi %mul3A_82, %add3A_149 : i32
        %add3A_151 = arith.constant 3 : i32
        %add3A_152 = arith.addi %add3A_150, %add3A_151 : i32
        %dma_start3A_153 = arith.constant 0 : i32
        %dma_start3A_154 = tpu.memref_slice %arg7[%add3A_152, %dma_start3A_153] : memref<152x128xi32, #tpu.memory_space<vmem>> -> memref<1x128xi32, #tpu.memory_space<vmem>>
        %dma_start3A_155 = tpu.memref_squeeze %dma_start3A_154 : memref<1x128xi32, #tpu.memory_space<vmem>> -> memref<128xi32, #tpu.memory_space<vmem>>
        %dma_start3A_156 = arith.constant 0 : i32
        %dma_start3A_157 = arith.constant 0 : i32
        %dma_start3A_158 = tpu.memref_slice %arg2[%dma_start3A_156, %dma_start3A_157] : memref<10000x24xf32, #tpu.memory_space<hbm>> -> memref<10000x24xf32, #tpu.memory_space<hbm>>
        tpu.enqueue_indirect_dma source(%dma_start3A_158 : memref<10000x24xf32, #tpu.memory_space<hbm>>) target(%arg12 : memref<128x24xf32, #tpu.memory_space<vmem>>) offsets(%dma_start3A_155 : memref<128xi32, #tpu.memory_space<vmem>>) semaphore(%arg17 : memref<!tpu.dma_semaphore, #tpu.memory_space<semaphore_mem>>)
      } else {
      }
    }
    %while3A_74 = arith.constant 1 : i32
    scf.for %while3A_80 = %while3A_72 to %while3A_68 step %while3A_74  : i32 {
      %mul3A_81 = arith.constant 4 : i32
      %mul3A_82 = arith.muli %while3A_80, %mul3A_81 : i32
      %dma_wait3A = arith.constant 0 : i32
      %dma_wait3A_83 = arith.constant 0 : i32
      %dma_wait3A_84 = tpu.memref_slice %arg7[%dma_wait3A, %dma_wait3A_83] : memref<152x128xi32, #tpu.memory_space<vmem>> -> memref<1x128xi32, #tpu.memory_space<vmem>>
      %dma_wait3A_85 = tpu.memref_squeeze %dma_wait3A_84 : memref<1x128xi32, #tpu.memory_space<vmem>> -> memref<128xi32, #tpu.memory_space<vmem>>
      %dma_wait3A_86 = arith.constant 0 : i32
      %dma_wait3A_87 = arith.constant 0 : i32
      %dma_wait3A_88 = tpu.memref_slice %arg2[%dma_wait3A_86, %dma_wait3A_87] : memref<10000x24xf32, #tpu.memory_space<hbm>> -> memref<10000x24xf32, #tpu.memory_space<hbm>>
      tpu.wait_indirect_dma semaphore(%arg14 : memref<!tpu.dma_semaphore, #tpu.memory_space<semaphore_mem>>) src(%dma_wait3A_88 : memref<10000x24xf32, #tpu.memory_space<hbm>>) dst(%arg9 : memref<128x24xf32, #tpu.memory_space<vmem>>)
      %add3A_89 = arith.constant 0 : i32
      %add3A_90 = arith.addi %mul3A_82, %add3A_89 : i32
      "tpu.region"() ({
        %run_scoped3A = tpu.sem_alloc : memref<!tpu.dma_semaphore, #tpu.memory_space<semaphore_mem>>
        %dma_start3A_149 = arith.constant 0 : i32
        %dma_start3A_150 = tpu.memref_slice %arg8[%add3A_90, %dma_start3A_149] : memref<152x128xi32, #tpu.memory_space<vmem>> -> memref<1x128xi32, #tpu.memory_space<vmem>>
        %dma_start3A_151 = tpu.memref_squeeze %dma_start3A_150 : memref<1x128xi32, #tpu.memory_space<vmem>> -> memref<128xi32, #tpu.memory_space<vmem>>
        %dma_start3A_152 = arith.constant 0 : i32
        %dma_start3A_153 = arith.constant 0 : i32
        %dma_start3A_154 = tpu.memref_slice %arg13[%dma_start3A_152, %dma_start3A_153] : memref<10112x24xf32, #tpu.memory_space<vmem_shared>> -> memref<10112x24xf32, #tpu.memory_space<vmem_shared>>
        tpu.enqueue_indirect_dma source(%arg9 : memref<128x24xf32, #tpu.memory_space<vmem>>) target(%dma_start3A_154 : memref<10112x24xf32, #tpu.memory_space<vmem_shared>>) offsets(%dma_start3A_151 : memref<128xi32, #tpu.memory_space<vmem>>) semaphore(%run_scoped3A : memref<!tpu.dma_semaphore, #tpu.memory_space<semaphore_mem>>) {add = true}
        %dma_wait3A_155 = arith.constant 0 : i32
        %dma_wait3A_156 = tpu.memref_slice %arg8[%add3A_90, %dma_wait3A_155] : memref<152x128xi32, #tpu.memory_space<vmem>> -> memref<1x128xi32, #tpu.memory_space<vmem>>
        %dma_wait3A_157 = tpu.memref_squeeze %dma_wait3A_156 : memref<1x128xi32, #tpu.memory_space<vmem>> -> memref<128xi32, #tpu.memory_space<vmem>>
        %dma_wait3A_158 = arith.constant 0 : i32
        %dma_wait3A_159 = arith.constant 0 : i32
        %dma_wait3A_160 = tpu.memref_slice %arg13[%dma_wait3A_158, %dma_wait3A_159] : memref<10112x24xf32, #tpu.memory_space<vmem_shared>> -> memref<10112x24xf32, #tpu.memory_space<vmem_shared>>
        tpu.wait_indirect_dma semaphore(%run_scoped3A : memref<!tpu.dma_semaphore, #tpu.memory_space<semaphore_mem>>) src(%arg9 : memref<128x24xf32, #tpu.memory_space<vmem>>) dst(%dma_wait3A_160 : memref<10112x24xf32, #tpu.memory_space<vmem_shared>>)
        tpu.yield
      }) : () -> ()
      %add3A_91 = arith.constant 4 : i32
      %add3A_92 = arith.addi %mul3A_82, %add3A_91 : i32
      %add3A_93 = arith.constant 0 : i32
      %add3A_94 = arith.addi %add3A_92, %add3A_93 : i32
      %lt3A = arith.cmpi slt, %add3A_94, %select_n3A_5 : i32
      %convert_element_type3A_95 = arith.extui %lt3A : i1 to i32
      %cond3A_96 = arith.constant 0 : i32
      %cond3A_97 = arith.cmpi ne, %convert_element_type3A_95, %cond3A_96 : i32
      scf.if %cond3A_97 {
        %add3A_149 = arith.constant 4 : i32
        %add3A_150 = arith.addi %mul3A_82, %add3A_149 : i32
        %add3A_151 = arith.constant 0 : i32
        %add3A_152 = arith.addi %add3A_150, %add3A_151 : i32
        %dma_start3A_153 = arith.constant 0 : i32
        %dma_start3A_154 = tpu.memref_slice %arg7[%add3A_152, %dma_start3A_153] : memref<152x128xi32, #tpu.memory_space<vmem>> -> memref<1x128xi32, #tpu.memory_space<vmem>>
        %dma_start3A_155 = tpu.memref_squeeze %dma_start3A_154 : memref<1x128xi32, #tpu.memory_space<vmem>> -> memref<128xi32, #tpu.memory_space<vmem>>
        %dma_start3A_156 = arith.constant 0 : i32
        %dma_start3A_157 = arith.constant 0 : i32
        %dma_start3A_158 = tpu.memref_slice %arg2[%dma_start3A_156, %dma_start3A_157] : memref<10000x24xf32, #tpu.memory_space<hbm>> -> memref<10000x24xf32, #tpu.memory_space<hbm>>
        tpu.enqueue_indirect_dma source(%dma_start3A_158 : memref<10000x24xf32, #tpu.memory_space<hbm>>) target(%arg9 : memref<128x24xf32, #tpu.memory_space<vmem>>) offsets(%dma_start3A_155 : memref<128xi32, #tpu.memory_space<vmem>>) semaphore(%arg14 : memref<!tpu.dma_semaphore, #tpu.memory_space<semaphore_mem>>)
      } else {
      }
      %dma_wait3A_98 = arith.constant 0 : i32
      %dma_wait3A_99 = arith.constant 0 : i32
      %dma_wait3A_100 = tpu.memref_slice %arg7[%dma_wait3A_98, %dma_wait3A_99] : memref<152x128xi32, #tpu.memory_space<vmem>> -> memref<1x128xi32, #tpu.memory_space<vmem>>
      %dma_wait3A_101 = tpu.memref_squeeze %dma_wait3A_100 : memref<1x128xi32, #tpu.memory_space<vmem>> -> memref<128xi32, #tpu.memory_space<vmem>>
      %dma_wait3A_102 = arith.constant 0 : i32
      %dma_wait3A_103 = arith.constant 0 : i32
      %dma_wait3A_104 = tpu.memref_slice %arg2[%dma_wait3A_102, %dma_wait3A_103] : memref<10000x24xf32, #tpu.memory_space<hbm>> -> memref<10000x24xf32, #tpu.memory_space<hbm>>
      tpu.wait_indirect_dma semaphore(%arg15 : memref<!tpu.dma_semaphore, #tpu.memory_space<semaphore_mem>>) src(%dma_wait3A_104 : memref<10000x24xf32, #tpu.memory_space<hbm>>) dst(%arg10 : memref<128x24xf32, #tpu.memory_space<vmem>>)
      %add3A_105 = arith.constant 1 : i32
      %add3A_106 = arith.addi %mul3A_82, %add3A_105 : i32
      "tpu.region"() ({
        %run_scoped3A = tpu.sem_alloc : memref<!tpu.dma_semaphore, #tpu.memory_space<semaphore_mem>>
        %dma_start3A_149 = arith.constant 0 : i32
        %dma_start3A_150 = tpu.memref_slice %arg8[%add3A_106, %dma_start3A_149] : memref<152x128xi32, #tpu.memory_space<vmem>> -> memref<1x128xi32, #tpu.memory_space<vmem>>
        %dma_start3A_151 = tpu.memref_squeeze %dma_start3A_150 : memref<1x128xi32, #tpu.memory_space<vmem>> -> memref<128xi32, #tpu.memory_space<vmem>>
        %dma_start3A_152 = arith.constant 0 : i32
        %dma_start3A_153 = arith.constant 0 : i32
        %dma_start3A_154 = tpu.memref_slice %arg13[%dma_start3A_152, %dma_start3A_153] : memref<10112x24xf32, #tpu.memory_space<vmem_shared>> -> memref<10112x24xf32, #tpu.memory_space<vmem_shared>>
        tpu.enqueue_indirect_dma source(%arg10 : memref<128x24xf32, #tpu.memory_space<vmem>>) target(%dma_start3A_154 : memref<10112x24xf32, #tpu.memory_space<vmem_shared>>) offsets(%dma_start3A_151 : memref<128xi32, #tpu.memory_space<vmem>>) semaphore(%run_scoped3A : memref<!tpu.dma_semaphore, #tpu.memory_space<semaphore_mem>>) {add = true}
        %dma_wait3A_155 = arith.constant 0 : i32
        %dma_wait3A_156 = tpu.memref_slice %arg8[%add3A_106, %dma_wait3A_155] : memref<152x128xi32, #tpu.memory_space<vmem>> -> memref<1x128xi32, #tpu.memory_space<vmem>>
        %dma_wait3A_157 = tpu.memref_squeeze %dma_wait3A_156 : memref<1x128xi32, #tpu.memory_space<vmem>> -> memref<128xi32, #tpu.memory_space<vmem>>
        %dma_wait3A_158 = arith.constant 0 : i32
        %dma_wait3A_159 = arith.constant 0 : i32
        %dma_wait3A_160 = tpu.memref_slice %arg13[%dma_wait3A_158, %dma_wait3A_159] : memref<10112x24xf32, #tpu.memory_space<vmem_shared>> -> memref<10112x24xf32, #tpu.memory_space<vmem_shared>>
        tpu.wait_indirect_dma semaphore(%run_scoped3A : memref<!tpu.dma_semaphore, #tpu.memory_space<semaphore_mem>>) src(%arg10 : memref<128x24xf32, #tpu.memory_space<vmem>>) dst(%dma_wait3A_160 : memref<10112x24xf32, #tpu.memory_space<vmem_shared>>)
        tpu.yield
      }) : () -> ()
      %add3A_107 = arith.constant 4 : i32
      %add3A_108 = arith.addi %mul3A_82, %add3A_107 : i32
      %add3A_109 = arith.constant 1 : i32
      %add3A_110 = arith.addi %add3A_108, %add3A_109 : i32
      %lt3A_111 = arith.cmpi slt, %add3A_110, %select_n3A_5 : i32
      %convert_element_type3A_112 = arith.extui %lt3A_111 : i1 to i32
      %cond3A_113 = arith.constant 0 : i32
      %cond3A_114 = arith.cmpi ne, %convert_element_type3A_112, %cond3A_113 : i32
      scf.if %cond3A_114 {
        %add3A_149 = arith.constant 4 : i32
        %add3A_150 = arith.addi %mul3A_82, %add3A_149 : i32
        %add3A_151 = arith.constant 1 : i32
        %add3A_152 = arith.addi %add3A_150, %add3A_151 : i32
        %dma_start3A_153 = arith.constant 0 : i32
        %dma_start3A_154 = tpu.memref_slice %arg7[%add3A_152, %dma_start3A_153] : memref<152x128xi32, #tpu.memory_space<vmem>> -> memref<1x128xi32, #tpu.memory_space<vmem>>
        %dma_start3A_155 = tpu.memref_squeeze %dma_start3A_154 : memref<1x128xi32, #tpu.memory_space<vmem>> -> memref<128xi32, #tpu.memory_space<vmem>>
        %dma_start3A_156 = arith.constant 0 : i32
        %dma_start3A_157 = arith.constant 0 : i32
        %dma_start3A_158 = tpu.memref_slice %arg2[%dma_start3A_156, %dma_start3A_157] : memref<10000x24xf32, #tpu.memory_space<hbm>> -> memref<10000x24xf32, #tpu.memory_space<hbm>>
        tpu.enqueue_indirect_dma source(%dma_start3A_158 : memref<10000x24xf32, #tpu.memory_space<hbm>>) target(%arg10 : memref<128x24xf32, #tpu.memory_space<vmem>>) offsets(%dma_start3A_155 : memref<128xi32, #tpu.memory_space<vmem>>) semaphore(%arg15 : memref<!tpu.dma_semaphore, #tpu.memory_space<semaphore_mem>>)
      } else {
      }
      %dma_wait3A_115 = arith.constant 0 : i32
      %dma_wait3A_116 = arith.constant 0 : i32
      %dma_wait3A_117 = tpu.memref_slice %arg7[%dma_wait3A_115, %dma_wait3A_116] : memref<152x128xi32, #tpu.memory_space<vmem>> -> memref<1x128xi32, #tpu.memory_space<vmem>>
      %dma_wait3A_118 = tpu.memref_squeeze %dma_wait3A_117 : memref<1x128xi32, #tpu.memory_space<vmem>> -> memref<128xi32, #tpu.memory_space<vmem>>
      %dma_wait3A_119 = arith.constant 0 : i32
      %dma_wait3A_120 = arith.constant 0 : i32
      %dma_wait3A_121 = tpu.memref_slice %arg2[%dma_wait3A_119, %dma_wait3A_120] : memref<10000x24xf32, #tpu.memory_space<hbm>> -> memref<10000x24xf32, #tpu.memory_space<hbm>>
      tpu.wait_indirect_dma semaphore(%arg16 : memref<!tpu.dma_semaphore, #tpu.memory_space<semaphore_mem>>) src(%dma_wait3A_121 : memref<10000x24xf32, #tpu.memory_space<hbm>>) dst(%arg11 : memref<128x24xf32, #tpu.memory_space<vmem>>)
      %add3A_122 = arith.constant 2 : i32
      %add3A_123 = arith.addi %mul3A_82, %add3A_122 : i32
      "tpu.region"() ({
        %run_scoped3A = tpu.sem_alloc : memref<!tpu.dma_semaphore, #tpu.memory_space<semaphore_mem>>
        %dma_start3A_149 = arith.constant 0 : i32
        %dma_start3A_150 = tpu.memref_slice %arg8[%add3A_123, %dma_start3A_149] : memref<152x128xi32, #tpu.memory_space<vmem>> -> memref<1x128xi32, #tpu.memory_space<vmem>>
        %dma_start3A_151 = tpu.memref_squeeze %dma_start3A_150 : memref<1x128xi32, #tpu.memory_space<vmem>> -> memref<128xi32, #tpu.memory_space<vmem>>
        %dma_start3A_152 = arith.constant 0 : i32
        %dma_start3A_153 = arith.constant 0 : i32
        %dma_start3A_154 = tpu.memref_slice %arg13[%dma_start3A_152, %dma_start3A_153] : memref<10112x24xf32, #tpu.memory_space<vmem_shared>> -> memref<10112x24xf32, #tpu.memory_space<vmem_shared>>
        tpu.enqueue_indirect_dma source(%arg11 : memref<128x24xf32, #tpu.memory_space<vmem>>) target(%dma_start3A_154 : memref<10112x24xf32, #tpu.memory_space<vmem_shared>>) offsets(%dma_start3A_151 : memref<128xi32, #tpu.memory_space<vmem>>) semaphore(%run_scoped3A : memref<!tpu.dma_semaphore, #tpu.memory_space<semaphore_mem>>) {add = true}
        %dma_wait3A_155 = arith.constant 0 : i32
        %dma_wait3A_156 = tpu.memref_slice %arg8[%add3A_123, %dma_wait3A_155] : memref<152x128xi32, #tpu.memory_space<vmem>> -> memref<1x128xi32, #tpu.memory_space<vmem>>
        %dma_wait3A_157 = tpu.memref_squeeze %dma_wait3A_156 : memref<1x128xi32, #tpu.memory_space<vmem>> -> memref<128xi32, #tpu.memory_space<vmem>>
        %dma_wait3A_158 = arith.constant 0 : i32
        %dma_wait3A_159 = arith.constant 0 : i32
        %dma_wait3A_160 = tpu.memref_slice %arg13[%dma_wait3A_158, %dma_wait3A_159] : memref<10112x24xf32, #tpu.memory_space<vmem_shared>> -> memref<10112x24xf32, #tpu.memory_space<vmem_shared>>
        tpu.wait_indirect_dma semaphore(%run_scoped3A : memref<!tpu.dma_semaphore, #tpu.memory_space<semaphore_mem>>) src(%arg11 : memref<128x24xf32, #tpu.memory_space<vmem>>) dst(%dma_wait3A_160 : memref<10112x24xf32, #tpu.memory_space<vmem_shared>>)
        tpu.yield
      }) : () -> ()
      %add3A_124 = arith.constant 4 : i32
      %add3A_125 = arith.addi %mul3A_82, %add3A_124 : i32
      %add3A_126 = arith.constant 2 : i32
      %add3A_127 = arith.addi %add3A_125, %add3A_126 : i32
      %lt3A_128 = arith.cmpi slt, %add3A_127, %select_n3A_5 : i32
      %convert_element_type3A_129 = arith.extui %lt3A_128 : i1 to i32
      %cond3A_130 = arith.constant 0 : i32
      %cond3A_131 = arith.cmpi ne, %convert_element_type3A_129, %cond3A_130 : i32
      scf.if %cond3A_131 {
        %add3A_149 = arith.constant 4 : i32
        %add3A_150 = arith.addi %mul3A_82, %add3A_149 : i32
        %add3A_151 = arith.constant 2 : i32
        %add3A_152 = arith.addi %add3A_150, %add3A_151 : i32
        %dma_start3A_153 = arith.constant 0 : i32
        %dma_start3A_154 = tpu.memref_slice %arg7[%add3A_152, %dma_start3A_153] : memref<152x128xi32, #tpu.memory_space<vmem>> -> memref<1x128xi32, #tpu.memory_space<vmem>>
        %dma_start3A_155 = tpu.memref_squeeze %dma_start3A_154 : memref<1x128xi32, #tpu.memory_space<vmem>> -> memref<128xi32, #tpu.memory_space<vmem>>
        %dma_start3A_156 = arith.constant 0 : i32
        %dma_start3A_157 = arith.constant 0 : i32
        %dma_start3A_158 = tpu.memref_slice %arg2[%dma_start3A_156, %dma_start3A_157] : memref<10000x24xf32, #tpu.memory_space<hbm>> -> memref<10000x24xf32, #tpu.memory_space<hbm>>
        tpu.enqueue_indirect_dma source(%dma_start3A_158 : memref<10000x24xf32, #tpu.memory_space<hbm>>) target(%arg11 : memref<128x24xf32, #tpu.memory_space<vmem>>) offsets(%dma_start3A_155 : memref<128xi32, #tpu.memory_space<vmem>>) semaphore(%arg16 : memref<!tpu.dma_semaphore, #tpu.memory_space<semaphore_mem>>)
      } else {
      }
      %dma_wait3A_132 = arith.constant 0 : i32
      %dma_wait3A_133 = arith.constant 0 : i32
      %dma_wait3A_134 = tpu.memref_slice %arg7[%dma_wait3A_132, %dma_wait3A_133] : memref<152x128xi32, #tpu.memory_space<vmem>> -> memref<1x128xi32, #tpu.memory_space<vmem>>
      %dma_wait3A_135 = tpu.memref_squeeze %dma_wait3A_134 : memref<1x128xi32, #tpu.memory_space<vmem>> -> memref<128xi32, #tpu.memory_space<vmem>>
      %dma_wait3A_136 = arith.constant 0 : i32
      %dma_wait3A_137 = arith.constant 0 : i32
      %dma_wait3A_138 = tpu.memref_slice %arg2[%dma_wait3A_136, %dma_wait3A_137] : memref<10000x24xf32, #tpu.memory_space<hbm>> -> memref<10000x24xf32, #tpu.memory_space<hbm>>
      tpu.wait_indirect_dma semaphore(%arg17 : memref<!tpu.dma_semaphore, #tpu.memory_space<semaphore_mem>>) src(%dma_wait3A_138 : memref<10000x24xf32, #tpu.memory_space<hbm>>) dst(%arg12 : memref<128x24xf32, #tpu.memory_space<vmem>>)
      %add3A_139 = arith.constant 3 : i32
      %add3A_140 = arith.addi %mul3A_82, %add3A_139 : i32
      "tpu.region"() ({
        %run_scoped3A = tpu.sem_alloc : memref<!tpu.dma_semaphore, #tpu.memory_space<semaphore_mem>>
        %dma_start3A_149 = arith.constant 0 : i32
        %dma_start3A_150 = tpu.memref_slice %arg8[%add3A_140, %dma_start3A_149] : memref<152x128xi32, #tpu.memory_space<vmem>> -> memref<1x128xi32, #tpu.memory_space<vmem>>
        %dma_start3A_151 = tpu.memref_squeeze %dma_start3A_150 : memref<1x128xi32, #tpu.memory_space<vmem>> -> memref<128xi32, #tpu.memory_space<vmem>>
        %dma_start3A_152 = arith.constant 0 : i32
        %dma_start3A_153 = arith.constant 0 : i32
        %dma_start3A_154 = tpu.memref_slice %arg13[%dma_start3A_152, %dma_start3A_153] : memref<10112x24xf32, #tpu.memory_space<vmem_shared>> -> memref<10112x24xf32, #tpu.memory_space<vmem_shared>>
        tpu.enqueue_indirect_dma source(%arg12 : memref<128x24xf32, #tpu.memory_space<vmem>>) target(%dma_start3A_154 : memref<10112x24xf32, #tpu.memory_space<vmem_shared>>) offsets(%dma_start3A_151 : memref<128xi32, #tpu.memory_space<vmem>>) semaphore(%run_scoped3A : memref<!tpu.dma_semaphore, #tpu.memory_space<semaphore_mem>>) {add = true}
        %dma_wait3A_155 = arith.constant 0 : i32
        %dma_wait3A_156 = tpu.memref_slice %arg8[%add3A_140, %dma_wait3A_155] : memref<152x128xi32, #tpu.memory_space<vmem>> -> memref<1x128xi32, #tpu.memory_space<vmem>>
        %dma_wait3A_157 = tpu.memref_squeeze %dma_wait3A_156 : memref<1x128xi32, #tpu.memory_space<vmem>> -> memref<128xi32, #tpu.memory_space<vmem>>
        %dma_wait3A_158 = arith.constant 0 : i32
        %dma_wait3A_159 = arith.constant 0 : i32
        %dma_wait3A_160 = tpu.memref_slice %arg13[%dma_wait3A_158, %dma_wait3A_159] : memref<10112x24xf32, #tpu.memory_space<vmem_shared>> -> memref<10112x24xf32, #tpu.memory_space<vmem_shared>>
        tpu.wait_indirect_dma semaphore(%run_scoped3A : memref<!tpu.dma_semaphore, #tpu.memory_space<semaphore_mem>>) src(%arg12 : memref<128x24xf32, #tpu.memory_space<vmem>>) dst(%dma_wait3A_160 : memref<10112x24xf32, #tpu.memory_space<vmem_shared>>)
        tpu.yield
      }) : () -> ()
      %add3A_141 = arith.constant 4 : i32
      %add3A_142 = arith.addi %mul3A_82, %add3A_141 : i32
      %add3A_143 = arith.constant 3 : i32
      %add3A_144 = arith.addi %add3A_142, %add3A_143 : i32
      %lt3A_145 = arith.cmpi slt, %add3A_144, %select_n3A_5 : i32
      %convert_element_type3A_146 = arith.extui %lt3A_145 : i1 to i32
      %cond3A_147 = arith.constant 0 : i32
      %cond3A_148 = arith.cmpi ne, %convert_element_type3A_146, %cond3A_147 : i32
      scf.if %cond3A_148 {
        %add3A_149 = arith.constant 4 : i32
        %add3A_150 = arith.addi %mul3A_82, %add3A_149 : i32
        %add3A_151 = arith.constant 3 : i32
        %add3A_152 = arith.addi %add3A_150, %add3A_151 : i32
        %dma_start3A_153 = arith.constant 0 : i32
        %dma_start3A_154 = tpu.memref_slice %arg7[%add3A_152, %dma_start3A_153] : memref<152x128xi32, #tpu.memory_space<vmem>> -> memref<1x128xi32, #tpu.memory_space<vmem>>
        %dma_start3A_155 = tpu.memref_squeeze %dma_start3A_154 : memref<1x128xi32, #tpu.memory_space<vmem>> -> memref<128xi32, #tpu.memory_space<vmem>>
        %dma_start3A_156 = arith.constant 0 : i32
        %dma_start3A_157 = arith.constant 0 : i32
        %dma_start3A_158 = tpu.memref_slice %arg2[%dma_start3A_156, %dma_start3A_157] : memref<10000x24xf32, #tpu.memory_space<hbm>> -> memref<10000x24xf32, #tpu.memory_space<hbm>>
        tpu.enqueue_indirect_dma source(%dma_start3A_158 : memref<10000x24xf32, #tpu.memory_space<hbm>>) target(%arg12 : memref<128x24xf32, #tpu.memory_space<vmem>>) offsets(%dma_start3A_155 : memref<128xi32, #tpu.memory_space<vmem>>) semaphore(%arg17 : memref<!tpu.dma_semaphore, #tpu.memory_space<semaphore_mem>>)
      } else {
      }
    }
    %barrier3A_75 = arith.constant 0 : index
    tpu.barrier barrier_id(%barrier3A_75)
    %mul3A_76 = arith.constant 632 : i32
    %mul3A_77 = arith.muli %arg1, %mul3A_76 : i32
    %mul3A_78 = arith.constant 632 : i32
    %mul3A_79 = arith.muli %arg1, %mul3A_78 : i32
    "tpu.region"() ({
      %run_scoped3A = tpu.sem_alloc : memref<!tpu.dma_semaphore, #tpu.memory_space<semaphore_mem>>
      %dma_start3A_80 = arith.constant 0 : i32
      %dma_start3A_81 = tpu.memref_slice %arg6[%arg0, %mul3A_79, %dma_start3A_80] : memref<2x10112x24xf32, #tpu.memory_space<hbm>> -> memref<1x632x24xf32, #tpu.memory_space<hbm>>
      %dma_start3A_82 = tpu.memref_squeeze %dma_start3A_81 : memref<1x632x24xf32, #tpu.memory_space<hbm>> -> memref<632x24xf32, #tpu.memory_space<hbm>>
      %dma_start3A_83 = arith.constant 0 : i32
      %dma_start3A_84 = tpu.memref_slice %arg13[%mul3A_77, %dma_start3A_83] : memref<10112x24xf32, #tpu.memory_space<vmem_shared>> -> memref<632x24xf32, #tpu.memory_space<vmem_shared>>
      tpu.enqueue_dma source(%dma_start3A_84 : memref<632x24xf32, #tpu.memory_space<vmem_shared>>) target(%dma_start3A_82 : memref<632x24xf32, #tpu.memory_space<hbm>>) target_semaphore(%run_scoped3A : memref<!tpu.dma_semaphore, #tpu.memory_space<semaphore_mem>>)
      %dma_wait3A = arith.constant 0 : i32
      %dma_wait3A_85 = tpu.memref_slice %arg6[%arg0, %mul3A_79, %dma_wait3A] : memref<2x10112x24xf32, #tpu.memory_space<hbm>> -> memref<1x632x24xf32, #tpu.memory_space<hbm>>
      %dma_wait3A_86 = tpu.memref_squeeze %dma_wait3A_85 : memref<1x632x24xf32, #tpu.memory_space<hbm>> -> memref<632x24xf32, #tpu.memory_space<hbm>>
      %dma_wait3A_87 = arith.constant 0 : i32
      %dma_wait3A_88 = tpu.memref_slice %arg13[%mul3A_77, %dma_wait3A_87] : memref<10112x24xf32, #tpu.memory_space<vmem_shared>> -> memref<632x24xf32, #tpu.memory_space<vmem_shared>>
      tpu.wait_dma2 semaphore(%run_scoped3A : memref<!tpu.dma_semaphore, #tpu.memory_space<semaphore_mem>>) src(%dma_wait3A_88 : memref<632x24xf32, #tpu.memory_space<vmem_shared>>) dst(%dma_wait3A_86 : memref<632x24xf32, #tpu.memory_space<hbm>>)
      tpu.yield
    }) : () -> ()
    return
  }
}

#map = affine_map<(d0, d1) -> (0, 0)>
#map1 = affine_map<(d0, d1) -> (0, 0, 0)>
module attributes {stable_mosaic.version = 14 : i64} {
  func.func @body(%arg0: i32, %arg1: i32, %arg2: memref<10000x16xf32, #tpu.memory_space<hbm>>, %arg3: memref<2560x128xi32, #tpu.memory_space<hbm>>, %arg4: memref<2560x128xi32, #tpu.memory_space<hbm>>, %arg5: memref<10112x16xf32, #tpu.memory_space<hbm>>, %arg6: memref<2x10112x16xf32, #tpu.memory_space<hbm>>, %arg7: memref<152x128xi32, #tpu.memory_space<vmem>>, %arg8: memref<152x128xi32, #tpu.memory_space<vmem>>, %arg9: memref<128x16xf32, #tpu.memory_space<vmem>>, %arg10: memref<128x16xf32, #tpu.memory_space<vmem>>, %arg11: memref<128x16xf32, #tpu.memory_space<vmem>>, %arg12: memref<128x16xf32, #tpu.memory_space<vmem>>, %arg13: memref<10112x16xf32, #tpu.memory_space<vmem_shared>>, %arg14: memref<!tpu.dma_semaphore, #tpu.memory_space<semaphore_mem>>, %arg15: memref<!tpu.dma_semaphore, #tpu.memory_space<semaphore_mem>>, %arg16: memref<!tpu.dma_semaphore, #tpu.memory_space<semaphore_mem>>, %arg17: memref<!tpu.dma_semaphore, #tpu.memory_space<semaphore_mem>>) attributes {dimension_semantics = [#tpu.dimension_semantics<core_parallel>, #tpu.dimension_semantics<subcore_parallel>], iteration_bounds = array<i64: 2, 16>, scalar_prefetch = 0 : i64, scratch_operands = 11 : i64, tpu.core_type = #tpu.core_type<sc_vector_subcore>, window_params = [{transform_indices = #map}, {transform_indices = #map}, {transform_indices = #map}, {transform_indices = #map}, {transform_indices = #map1}]} {
    %mul3A = arith.constant 632 : i32
    %mul3A_0 = arith.muli %arg1, %mul3A : i32
    %mul3A_1 = arith.constant 632 : i32
    %mul3A_2 = arith.muli %arg1, %mul3A_1 : i32
    "tpu.region"() ({
      %run_scoped3A = tpu.sem_alloc : memref<!tpu.dma_semaphore, #tpu.memory_space<semaphore_mem>>
      %dma_start3A_80 = arith.constant 0 : i32
      %dma_start3A_81 = tpu.memref_slice %arg13[%mul3A_2, %dma_start3A_80] : memref<10112x16xf32, #tpu.memory_space<vmem_shared>> -> memref<632x16xf32, #tpu.memory_space<vmem_shared>>
      %dma_start3A_82 = arith.constant 0 : i32
      %dma_start3A_83 = tpu.memref_slice %arg5[%mul3A_0, %dma_start3A_82] : memref<10112x16xf32, #tpu.memory_space<hbm>> -> memref<632x16xf32, #tpu.memory_space<hbm>>
      tpu.enqueue_dma source(%dma_start3A_83 : memref<632x16xf32, #tpu.memory_space<hbm>>) target(%dma_start3A_81 : memref<632x16xf32, #tpu.memory_space<vmem_shared>>) target_semaphore(%run_scoped3A : memref<!tpu.dma_semaphore, #tpu.memory_space<semaphore_mem>>)
      %dma_wait3A = arith.constant 0 : i32
      %dma_wait3A_84 = tpu.memref_slice %arg13[%mul3A_2, %dma_wait3A] : memref<10112x16xf32, #tpu.memory_space<vmem_shared>> -> memref<632x16xf32, #tpu.memory_space<vmem_shared>>
      %dma_wait3A_85 = arith.constant 0 : i32
      %dma_wait3A_86 = tpu.memref_slice %arg5[%mul3A_0, %dma_wait3A_85] : memref<10112x16xf32, #tpu.memory_space<hbm>> -> memref<632x16xf32, #tpu.memory_space<hbm>>
      tpu.wait_dma2 semaphore(%run_scoped3A : memref<!tpu.dma_semaphore, #tpu.memory_space<semaphore_mem>>) src(%dma_wait3A_86 : memref<632x16xf32, #tpu.memory_space<hbm>>) dst(%dma_wait3A_84 : memref<632x16xf32, #tpu.memory_space<vmem_shared>>)
      tpu.yield
    }) : () -> ()
    %eq3A = arith.constant 0 : i32
    %eq3A_3 = arith.cmpi eq, %arg0, %eq3A : i32
    %select_n3A = arith.constant 8 : i32
    %select_n3A_4 = arith.constant 152 : i32
    %select_n3A_5 = arith.select %eq3A_3, %select_n3A_4, %select_n3A : i32
    %eq3A_6 = arith.constant 0 : i32
    %eq3A_7 = arith.cmpi eq, %arg0, %eq3A_6 : i32
    %mul3A_8 = arith.constant 152 : i32
    %mul3A_9 = arith.muli %arg1, %mul3A_8 : i32
    %mul3A_10 = arith.constant 8 : i32
    %mul3A_11 = arith.muli %arg1, %mul3A_10 : i32
    %add3A = arith.constant 2432 : i32
    %add3A_12 = arith.addi %add3A, %mul3A_11 : i32
    %select_n3A_13 = arith.select %eq3A_7, %mul3A_9, %add3A_12 : i32
    %eq3A_14 = arith.constant 0 : i32
    %eq3A_15 = arith.cmpi eq, %arg0, %eq3A_14 : i32
    %convert_element_type3A = arith.extui %eq3A_15 : i1 to i32
    %cond3A = arith.constant 0 : i32
    %cond3A_16 = arith.cmpi ne, %convert_element_type3A, %cond3A : i32
    scf.if %cond3A_16 {
      "tpu.region"() ({
        %run_scoped3A = tpu.sem_alloc : memref<!tpu.dma_semaphore, #tpu.memory_space<semaphore_mem>>
        %dma_start3A_80 = arith.constant 0 : i32
        %dma_start3A_81 = arith.constant 0 : i32
        %dma_start3A_82 = tpu.memref_slice %arg7[%dma_start3A_80, %dma_start3A_81] : memref<152x128xi32, #tpu.memory_space<vmem>> -> memref<152x128xi32, #tpu.memory_space<vmem>>
        %dma_start3A_83 = arith.constant 0 : i32
        %dma_start3A_84 = tpu.memref_slice %arg3[%select_n3A_13, %dma_start3A_83] : memref<2560x128xi32, #tpu.memory_space<hbm>> -> memref<152x128xi32, #tpu.memory_space<hbm>>
        %dma_start3A_85 = arith.constant 0 : i32
        %dma_start3A_86 = arith.constant 0 : i32
        %dma_start3A_87 = tpu.memref_slice %arg7[%dma_start3A_85, %dma_start3A_86] : memref<152x128xi32, #tpu.memory_space<vmem>> -> memref<152x128xi32, #tpu.memory_space<vmem>>
        %dma_start3A_88 = arith.constant 0 : i32
        %dma_start3A_89 = tpu.memref_slice %arg3[%select_n3A_13, %dma_start3A_88] : memref<2560x128xi32, #tpu.memory_space<hbm>> -> memref<152x128xi32, #tpu.memory_space<hbm>>
        tpu.enqueue_dma source(%dma_start3A_89 : memref<152x128xi32, #tpu.memory_space<hbm>>) target(%dma_start3A_87 : memref<152x128xi32, #tpu.memory_space<vmem>>) target_semaphore(%run_scoped3A : memref<!tpu.dma_semaphore, #tpu.memory_space<semaphore_mem>>)
        %dma_wait3A = arith.constant 0 : i32
        %dma_wait3A_90 = arith.constant 0 : i32
        %dma_wait3A_91 = tpu.memref_slice %arg7[%dma_wait3A, %dma_wait3A_90] : memref<152x128xi32, #tpu.memory_space<vmem>> -> memref<152x128xi32, #tpu.memory_space<vmem>>
        %dma_wait3A_92 = arith.constant 0 : i32
        %dma_wait3A_93 = tpu.memref_slice %arg3[%select_n3A_13, %dma_wait3A_92] : memref<2560x128xi32, #tpu.memory_space<hbm>> -> memref<152x128xi32, #tpu.memory_space<hbm>>
        %dma_wait3A_94 = arith.constant 0 : i32
        %dma_wait3A_95 = arith.constant 0 : i32
        %dma_wait3A_96 = tpu.memref_slice %arg7[%dma_wait3A_94, %dma_wait3A_95] : memref<152x128xi32, #tpu.memory_space<vmem>> -> memref<152x128xi32, #tpu.memory_space<vmem>>
        %dma_wait3A_97 = arith.constant 0 : i32
        %dma_wait3A_98 = tpu.memref_slice %arg3[%select_n3A_13, %dma_wait3A_97] : memref<2560x128xi32, #tpu.memory_space<hbm>> -> memref<152x128xi32, #tpu.memory_space<hbm>>
        tpu.wait_dma2 semaphore(%run_scoped3A : memref<!tpu.dma_semaphore, #tpu.memory_space<semaphore_mem>>) src(%dma_wait3A_98 : memref<152x128xi32, #tpu.memory_space<hbm>>) dst(%dma_wait3A_96 : memref<152x128xi32, #tpu.memory_space<vmem>>)
        tpu.yield
      }) : () -> ()
      "tpu.region"() ({
        %run_scoped3A = tpu.sem_alloc : memref<!tpu.dma_semaphore, #tpu.memory_space<semaphore_mem>>
        %dma_start3A_80 = arith.constant 0 : i32
        %dma_start3A_81 = arith.constant 0 : i32
        %dma_start3A_82 = tpu.memref_slice %arg8[%dma_start3A_80, %dma_start3A_81] : memref<152x128xi32, #tpu.memory_space<vmem>> -> memref<152x128xi32, #tpu.memory_space<vmem>>
        %dma_start3A_83 = arith.constant 0 : i32
        %dma_start3A_84 = tpu.memref_slice %arg4[%select_n3A_13, %dma_start3A_83] : memref<2560x128xi32, #tpu.memory_space<hbm>> -> memref<152x128xi32, #tpu.memory_space<hbm>>
        %dma_start3A_85 = arith.constant 0 : i32
        %dma_start3A_86 = arith.constant 0 : i32
        %dma_start3A_87 = tpu.memref_slice %arg8[%dma_start3A_85, %dma_start3A_86] : memref<152x128xi32, #tpu.memory_space<vmem>> -> memref<152x128xi32, #tpu.memory_space<vmem>>
        %dma_start3A_88 = arith.constant 0 : i32
        %dma_start3A_89 = tpu.memref_slice %arg4[%select_n3A_13, %dma_start3A_88] : memref<2560x128xi32, #tpu.memory_space<hbm>> -> memref<152x128xi32, #tpu.memory_space<hbm>>
        tpu.enqueue_dma source(%dma_start3A_89 : memref<152x128xi32, #tpu.memory_space<hbm>>) target(%dma_start3A_87 : memref<152x128xi32, #tpu.memory_space<vmem>>) target_semaphore(%run_scoped3A : memref<!tpu.dma_semaphore, #tpu.memory_space<semaphore_mem>>)
        %dma_wait3A = arith.constant 0 : i32
        %dma_wait3A_90 = arith.constant 0 : i32
        %dma_wait3A_91 = tpu.memref_slice %arg8[%dma_wait3A, %dma_wait3A_90] : memref<152x128xi32, #tpu.memory_space<vmem>> -> memref<152x128xi32, #tpu.memory_space<vmem>>
        %dma_wait3A_92 = arith.constant 0 : i32
        %dma_wait3A_93 = tpu.memref_slice %arg4[%select_n3A_13, %dma_wait3A_92] : memref<2560x128xi32, #tpu.memory_space<hbm>> -> memref<152x128xi32, #tpu.memory_space<hbm>>
        %dma_wait3A_94 = arith.constant 0 : i32
        %dma_wait3A_95 = arith.constant 0 : i32
        %dma_wait3A_96 = tpu.memref_slice %arg8[%dma_wait3A_94, %dma_wait3A_95] : memref<152x128xi32, #tpu.memory_space<vmem>> -> memref<152x128xi32, #tpu.memory_space<vmem>>
        %dma_wait3A_97 = arith.constant 0 : i32
        %dma_wait3A_98 = tpu.memref_slice %arg4[%select_n3A_13, %dma_wait3A_97] : memref<2560x128xi32, #tpu.memory_space<hbm>> -> memref<152x128xi32, #tpu.memory_space<hbm>>
        tpu.wait_dma2 semaphore(%run_scoped3A : memref<!tpu.dma_semaphore, #tpu.memory_space<semaphore_mem>>) src(%dma_wait3A_98 : memref<152x128xi32, #tpu.memory_space<hbm>>) dst(%dma_wait3A_96 : memref<152x128xi32, #tpu.memory_space<vmem>>)
        tpu.yield
      }) : () -> ()
    } else {
    }
    %eq3A_17 = arith.constant 1 : i32
    %eq3A_18 = arith.cmpi eq, %arg0, %eq3A_17 : i32
    %convert_element_type3A_19 = arith.extui %eq3A_18 : i1 to i32
    %cond3A_20 = arith.constant 0 : i32
    %cond3A_21 = arith.cmpi ne, %convert_element_type3A_19, %cond3A_20 : i32
    scf.if %cond3A_21 {
      "tpu.region"() ({
        %run_scoped3A = tpu.sem_alloc : memref<!tpu.dma_semaphore, #tpu.memory_space<semaphore_mem>>
        %dma_start3A_80 = arith.constant 0 : i32
        %dma_start3A_81 = arith.constant 0 : i32
        %dma_start3A_82 = tpu.memref_slice %arg7[%dma_start3A_80, %dma_start3A_81] : memref<152x128xi32, #tpu.memory_space<vmem>> -> memref<8x128xi32, #tpu.memory_space<vmem>>
        %dma_start3A_83 = arith.constant 0 : i32
        %dma_start3A_84 = tpu.memref_slice %arg3[%select_n3A_13, %dma_start3A_83] : memref<2560x128xi32, #tpu.memory_space<hbm>> -> memref<8x128xi32, #tpu.memory_space<hbm>>
        %dma_start3A_85 = arith.constant 0 : i32
        %dma_start3A_86 = arith.constant 0 : i32
        %dma_start3A_87 = tpu.memref_slice %arg7[%dma_start3A_85, %dma_start3A_86] : memref<152x128xi32, #tpu.memory_space<vmem>> -> memref<8x128xi32, #tpu.memory_space<vmem>>
        %dma_start3A_88 = arith.constant 0 : i32
        %dma_start3A_89 = tpu.memref_slice %arg3[%select_n3A_13, %dma_start3A_88] : memref<2560x128xi32, #tpu.memory_space<hbm>> -> memref<8x128xi32, #tpu.memory_space<hbm>>
        tpu.enqueue_dma source(%dma_start3A_89 : memref<8x128xi32, #tpu.memory_space<hbm>>) target(%dma_start3A_87 : memref<8x128xi32, #tpu.memory_space<vmem>>) target_semaphore(%run_scoped3A : memref<!tpu.dma_semaphore, #tpu.memory_space<semaphore_mem>>)
        %dma_wait3A = arith.constant 0 : i32
        %dma_wait3A_90 = arith.constant 0 : i32
        %dma_wait3A_91 = tpu.memref_slice %arg7[%dma_wait3A, %dma_wait3A_90] : memref<152x128xi32, #tpu.memory_space<vmem>> -> memref<8x128xi32, #tpu.memory_space<vmem>>
        %dma_wait3A_92 = arith.constant 0 : i32
        %dma_wait3A_93 = tpu.memref_slice %arg3[%select_n3A_13, %dma_wait3A_92] : memref<2560x128xi32, #tpu.memory_space<hbm>> -> memref<8x128xi32, #tpu.memory_space<hbm>>
        %dma_wait3A_94 = arith.constant 0 : i32
        %dma_wait3A_95 = arith.constant 0 : i32
        %dma_wait3A_96 = tpu.memref_slice %arg7[%dma_wait3A_94, %dma_wait3A_95] : memref<152x128xi32, #tpu.memory_space<vmem>> -> memref<8x128xi32, #tpu.memory_space<vmem>>
        %dma_wait3A_97 = arith.constant 0 : i32
        %dma_wait3A_98 = tpu.memref_slice %arg3[%select_n3A_13, %dma_wait3A_97] : memref<2560x128xi32, #tpu.memory_space<hbm>> -> memref<8x128xi32, #tpu.memory_space<hbm>>
        tpu.wait_dma2 semaphore(%run_scoped3A : memref<!tpu.dma_semaphore, #tpu.memory_space<semaphore_mem>>) src(%dma_wait3A_98 : memref<8x128xi32, #tpu.memory_space<hbm>>) dst(%dma_wait3A_96 : memref<8x128xi32, #tpu.memory_space<vmem>>)
        tpu.yield
      }) : () -> ()
      "tpu.region"() ({
        %run_scoped3A = tpu.sem_alloc : memref<!tpu.dma_semaphore, #tpu.memory_space<semaphore_mem>>
        %dma_start3A_80 = arith.constant 0 : i32
        %dma_start3A_81 = arith.constant 0 : i32
        %dma_start3A_82 = tpu.memref_slice %arg8[%dma_start3A_80, %dma_start3A_81] : memref<152x128xi32, #tpu.memory_space<vmem>> -> memref<8x128xi32, #tpu.memory_space<vmem>>
        %dma_start3A_83 = arith.constant 0 : i32
        %dma_start3A_84 = tpu.memref_slice %arg4[%select_n3A_13, %dma_start3A_83] : memref<2560x128xi32, #tpu.memory_space<hbm>> -> memref<8x128xi32, #tpu.memory_space<hbm>>
        %dma_start3A_85 = arith.constant 0 : i32
        %dma_start3A_86 = arith.constant 0 : i32
        %dma_start3A_87 = tpu.memref_slice %arg8[%dma_start3A_85, %dma_start3A_86] : memref<152x128xi32, #tpu.memory_space<vmem>> -> memref<8x128xi32, #tpu.memory_space<vmem>>
        %dma_start3A_88 = arith.constant 0 : i32
        %dma_start3A_89 = tpu.memref_slice %arg4[%select_n3A_13, %dma_start3A_88] : memref<2560x128xi32, #tpu.memory_space<hbm>> -> memref<8x128xi32, #tpu.memory_space<hbm>>
        tpu.enqueue_dma source(%dma_start3A_89 : memref<8x128xi32, #tpu.memory_space<hbm>>) target(%dma_start3A_87 : memref<8x128xi32, #tpu.memory_space<vmem>>) target_semaphore(%run_scoped3A : memref<!tpu.dma_semaphore, #tpu.memory_space<semaphore_mem>>)
        %dma_wait3A = arith.constant 0 : i32
        %dma_wait3A_90 = arith.constant 0 : i32
        %dma_wait3A_91 = tpu.memref_slice %arg8[%dma_wait3A, %dma_wait3A_90] : memref<152x128xi32, #tpu.memory_space<vmem>> -> memref<8x128xi32, #tpu.memory_space<vmem>>
        %dma_wait3A_92 = arith.constant 0 : i32
        %dma_wait3A_93 = tpu.memref_slice %arg4[%select_n3A_13, %dma_wait3A_92] : memref<2560x128xi32, #tpu.memory_space<hbm>> -> memref<8x128xi32, #tpu.memory_space<hbm>>
        %dma_wait3A_94 = arith.constant 0 : i32
        %dma_wait3A_95 = arith.constant 0 : i32
        %dma_wait3A_96 = tpu.memref_slice %arg8[%dma_wait3A_94, %dma_wait3A_95] : memref<152x128xi32, #tpu.memory_space<vmem>> -> memref<8x128xi32, #tpu.memory_space<vmem>>
        %dma_wait3A_97 = arith.constant 0 : i32
        %dma_wait3A_98 = tpu.memref_slice %arg4[%select_n3A_13, %dma_wait3A_97] : memref<2560x128xi32, #tpu.memory_space<hbm>> -> memref<8x128xi32, #tpu.memory_space<hbm>>
        tpu.wait_dma2 semaphore(%run_scoped3A : memref<!tpu.dma_semaphore, #tpu.memory_space<semaphore_mem>>) src(%dma_wait3A_98 : memref<8x128xi32, #tpu.memory_space<hbm>>) dst(%dma_wait3A_96 : memref<8x128xi32, #tpu.memory_space<vmem>>)
        tpu.yield
      }) : () -> ()
    } else {
    }
    %barrier3A = arith.constant 0 : index
    tpu.barrier barrier_id(%barrier3A)
    %dma_start3A = arith.constant 0 : i32
    %dma_start3A_22 = arith.constant 0 : i32
    %dma_start3A_23 = tpu.memref_slice %arg7[%dma_start3A, %dma_start3A_22] : memref<152x128xi32, #tpu.memory_space<vmem>> -> memref<1x128xi32, #tpu.memory_space<vmem>>
    %dma_start3A_24 = tpu.memref_squeeze %dma_start3A_23 : memref<1x128xi32, #tpu.memory_space<vmem>> -> memref<128xi32, #tpu.memory_space<vmem>>
    %dma_start3A_25 = arith.constant 0 : i32
    %dma_start3A_26 = arith.constant 0 : i32
    %dma_start3A_27 = tpu.memref_slice %arg2[%dma_start3A_25, %dma_start3A_26] : memref<10000x16xf32, #tpu.memory_space<hbm>> -> memref<10000x16xf32, #tpu.memory_space<hbm>>
    tpu.enqueue_indirect_dma source(%dma_start3A_27 : memref<10000x16xf32, #tpu.memory_space<hbm>>) target(%arg9 : memref<128x16xf32, #tpu.memory_space<vmem>>) offsets(%dma_start3A_24 : memref<128xi32, #tpu.memory_space<vmem>>) semaphore(%arg14 : memref<!tpu.dma_semaphore, #tpu.memory_space<semaphore_mem>>)
    %dma_start3A_28 = arith.constant 1 : i32
    %dma_start3A_29 = arith.constant 0 : i32
    %dma_start3A_30 = tpu.memref_slice %arg7[%dma_start3A_28, %dma_start3A_29] : memref<152x128xi32, #tpu.memory_space<vmem>> -> memref<1x128xi32, #tpu.memory_space<vmem>>
    %dma_start3A_31 = tpu.memref_squeeze %dma_start3A_30 : memref<1x128xi32, #tpu.memory_space<vmem>> -> memref<128xi32, #tpu.memory_space<vmem>>
    %dma_start3A_32 = arith.constant 0 : i32
    %dma_start3A_33 = arith.constant 0 : i32
    %dma_start3A_34 = tpu.memref_slice %arg2[%dma_start3A_32, %dma_start3A_33] : memref<10000x16xf32, #tpu.memory_space<hbm>> -> memref<10000x16xf32, #tpu.memory_space<hbm>>
    tpu.enqueue_indirect_dma source(%dma_start3A_34 : memref<10000x16xf32, #tpu.memory_space<hbm>>) target(%arg10 : memref<128x16xf32, #tpu.memory_space<vmem>>) offsets(%dma_start3A_31 : memref<128xi32, #tpu.memory_space<vmem>>) semaphore(%arg15 : memref<!tpu.dma_semaphore, #tpu.memory_space<semaphore_mem>>)
    %dma_start3A_35 = arith.constant 2 : i32
    %dma_start3A_36 = arith.constant 0 : i32
    %dma_start3A_37 = tpu.memref_slice %arg7[%dma_start3A_35, %dma_start3A_36] : memref<152x128xi32, #tpu.memory_space<vmem>> -> memref<1x128xi32, #tpu.memory_space<vmem>>
    %dma_start3A_38 = tpu.memref_squeeze %dma_start3A_37 : memref<1x128xi32, #tpu.memory_space<vmem>> -> memref<128xi32, #tpu.memory_space<vmem>>
    %dma_start3A_39 = arith.constant 0 : i32
    %dma_start3A_40 = arith.constant 0 : i32
    %dma_start3A_41 = tpu.memref_slice %arg2[%dma_start3A_39, %dma_start3A_40] : memref<10000x16xf32, #tpu.memory_space<hbm>> -> memref<10000x16xf32, #tpu.memory_space<hbm>>
    tpu.enqueue_indirect_dma source(%dma_start3A_41 : memref<10000x16xf32, #tpu.memory_space<hbm>>) target(%arg11 : memref<128x16xf32, #tpu.memory_space<vmem>>) offsets(%dma_start3A_38 : memref<128xi32, #tpu.memory_space<vmem>>) semaphore(%arg16 : memref<!tpu.dma_semaphore, #tpu.memory_space<semaphore_mem>>)
    %dma_start3A_42 = arith.constant 3 : i32
    %dma_start3A_43 = arith.constant 0 : i32
    %dma_start3A_44 = tpu.memref_slice %arg7[%dma_start3A_42, %dma_start3A_43] : memref<152x128xi32, #tpu.memory_space<vmem>> -> memref<1x128xi32, #tpu.memory_space<vmem>>
    %dma_start3A_45 = tpu.memref_squeeze %dma_start3A_44 : memref<1x128xi32, #tpu.memory_space<vmem>> -> memref<128xi32, #tpu.memory_space<vmem>>
    %dma_start3A_46 = arith.constant 0 : i32
    %dma_start3A_47 = arith.constant 0 : i32
    %dma_start3A_48 = tpu.memref_slice %arg2[%dma_start3A_46, %dma_start3A_47] : memref<10000x16xf32, #tpu.memory_space<hbm>> -> memref<10000x16xf32, #tpu.memory_space<hbm>>
    tpu.enqueue_indirect_dma source(%dma_start3A_48 : memref<10000x16xf32, #tpu.memory_space<hbm>>) target(%arg12 : memref<128x16xf32, #tpu.memory_space<vmem>>) offsets(%dma_start3A_45 : memref<128xi32, #tpu.memory_space<vmem>>) semaphore(%arg17 : memref<!tpu.dma_semaphore, #tpu.memory_space<semaphore_mem>>)
    %jit3A = arith.constant 4 : i32
    %div3A = arith.divsi %select_n3A_5, %jit3A : i32
    %sign3A = arith.constant 0 : i32
    %sign3A_49 = arith.cmpi sgt, %select_n3A_5, %sign3A : i32
    %sign3A_50 = arith.extui %sign3A_49 : i1 to i32
    %sign3A_51 = arith.constant 0 : i32
    %sign3A_52 = arith.cmpi slt, %select_n3A_5, %sign3A_51 : i32
    %sign3A_53 = arith.extui %sign3A_52 : i1 to i32
    %sign3A_54 = arith.subi %sign3A_50, %sign3A_53 : i32
    %sign3A_55 = arith.constant 0 : i32
    %sign3A_56 = arith.cmpi sgt, %jit3A, %sign3A_55 : i32
    %sign3A_57 = arith.extui %sign3A_56 : i1 to i32
    %sign3A_58 = arith.constant 0 : i32
    %sign3A_59 = arith.cmpi slt, %jit3A, %sign3A_58 : i32
    %sign3A_60 = arith.extui %sign3A_59 : i1 to i32
    %sign3A_61 = arith.subi %sign3A_57, %sign3A_60 : i32
    %ne3A = arith.cmpi ne, %sign3A_54, %sign3A_61 : i32
    %rem3A = arith.remsi %select_n3A_5, %jit3A : i32
    %ne3A_62 = arith.constant 0 : i32
    %ne3A_63 = arith.cmpi ne, %rem3A, %ne3A_62 : i32
    %and3A = arith.andi %ne3A, %ne3A_63 : i1
    %sub3A = arith.constant 1 : i32
    %sub3A_64 = arith.subi %div3A, %sub3A : i32
    %select_n3A_65 = arith.select %and3A, %sub3A_64, %div3A : i32
    %while3A = arith.constant 0 : i32
    %while3A_66 = arith.constant 0 : i32
    %while3A_67 = arith.subi %select_n3A_65, %while3A_66 : i32
    %while3A_68 = arith.addi %while3A_66, %while3A_67 : i32
    %while3A_69 = arith.constant 1 : i32
    %while3A_70 = arith.divsi %while3A_67, %while3A_69 : i32
    %while3A_71 = arith.muli %while3A_70, %while3A_69 : i32
    %while3A_72 = arith.addi %while3A_66, %while3A_71 : i32
    %while3A_73 = arith.constant 1 : i32
    scf.for %while3A_80 = %while3A_66 to %while3A_72 step %while3A_73  : i32 {
      %mul3A_81 = arith.constant 4 : i32
      %mul3A_82 = arith.muli %while3A_80, %mul3A_81 : i32
      %dma_wait3A = arith.constant 0 : i32
      %dma_wait3A_83 = arith.constant 0 : i32
      %dma_wait3A_84 = tpu.memref_slice %arg7[%dma_wait3A, %dma_wait3A_83] : memref<152x128xi32, #tpu.memory_space<vmem>> -> memref<1x128xi32, #tpu.memory_space<vmem>>
      %dma_wait3A_85 = tpu.memref_squeeze %dma_wait3A_84 : memref<1x128xi32, #tpu.memory_space<vmem>> -> memref<128xi32, #tpu.memory_space<vmem>>
      %dma_wait3A_86 = arith.constant 0 : i32
      %dma_wait3A_87 = arith.constant 0 : i32
      %dma_wait3A_88 = tpu.memref_slice %arg2[%dma_wait3A_86, %dma_wait3A_87] : memref<10000x16xf32, #tpu.memory_space<hbm>> -> memref<10000x16xf32, #tpu.memory_space<hbm>>
      tpu.wait_indirect_dma semaphore(%arg14 : memref<!tpu.dma_semaphore, #tpu.memory_space<semaphore_mem>>) src(%dma_wait3A_88 : memref<10000x16xf32, #tpu.memory_space<hbm>>) dst(%arg9 : memref<128x16xf32, #tpu.memory_space<vmem>>)
      %add3A_89 = arith.constant 0 : i32
      %add3A_90 = arith.addi %mul3A_82, %add3A_89 : i32
      "tpu.region"() ({
        %run_scoped3A = tpu.sem_alloc : memref<!tpu.dma_semaphore, #tpu.memory_space<semaphore_mem>>
        %dma_start3A_149 = arith.constant 0 : i32
        %dma_start3A_150 = tpu.memref_slice %arg8[%add3A_90, %dma_start3A_149] : memref<152x128xi32, #tpu.memory_space<vmem>> -> memref<1x128xi32, #tpu.memory_space<vmem>>
        %dma_start3A_151 = tpu.memref_squeeze %dma_start3A_150 : memref<1x128xi32, #tpu.memory_space<vmem>> -> memref<128xi32, #tpu.memory_space<vmem>>
        %dma_start3A_152 = arith.constant 0 : i32
        %dma_start3A_153 = arith.constant 0 : i32
        %dma_start3A_154 = tpu.memref_slice %arg13[%dma_start3A_152, %dma_start3A_153] : memref<10112x16xf32, #tpu.memory_space<vmem_shared>> -> memref<10112x16xf32, #tpu.memory_space<vmem_shared>>
        tpu.enqueue_indirect_dma source(%arg9 : memref<128x16xf32, #tpu.memory_space<vmem>>) target(%dma_start3A_154 : memref<10112x16xf32, #tpu.memory_space<vmem_shared>>) offsets(%dma_start3A_151 : memref<128xi32, #tpu.memory_space<vmem>>) semaphore(%run_scoped3A : memref<!tpu.dma_semaphore, #tpu.memory_space<semaphore_mem>>) {add = true}
        %dma_wait3A_155 = arith.constant 0 : i32
        %dma_wait3A_156 = tpu.memref_slice %arg8[%add3A_90, %dma_wait3A_155] : memref<152x128xi32, #tpu.memory_space<vmem>> -> memref<1x128xi32, #tpu.memory_space<vmem>>
        %dma_wait3A_157 = tpu.memref_squeeze %dma_wait3A_156 : memref<1x128xi32, #tpu.memory_space<vmem>> -> memref<128xi32, #tpu.memory_space<vmem>>
        %dma_wait3A_158 = arith.constant 0 : i32
        %dma_wait3A_159 = arith.constant 0 : i32
        %dma_wait3A_160 = tpu.memref_slice %arg13[%dma_wait3A_158, %dma_wait3A_159] : memref<10112x16xf32, #tpu.memory_space<vmem_shared>> -> memref<10112x16xf32, #tpu.memory_space<vmem_shared>>
        tpu.wait_indirect_dma semaphore(%run_scoped3A : memref<!tpu.dma_semaphore, #tpu.memory_space<semaphore_mem>>) src(%arg9 : memref<128x16xf32, #tpu.memory_space<vmem>>) dst(%dma_wait3A_160 : memref<10112x16xf32, #tpu.memory_space<vmem_shared>>)
        tpu.yield
      }) : () -> ()
      %add3A_91 = arith.constant 4 : i32
      %add3A_92 = arith.addi %mul3A_82, %add3A_91 : i32
      %add3A_93 = arith.constant 0 : i32
      %add3A_94 = arith.addi %add3A_92, %add3A_93 : i32
      %lt3A = arith.cmpi slt, %add3A_94, %select_n3A_5 : i32
      %convert_element_type3A_95 = arith.extui %lt3A : i1 to i32
      %cond3A_96 = arith.constant 0 : i32
      %cond3A_97 = arith.cmpi ne, %convert_element_type3A_95, %cond3A_96 : i32
      scf.if %cond3A_97 {
        %add3A_149 = arith.constant 4 : i32
        %add3A_150 = arith.addi %mul3A_82, %add3A_149 : i32
        %add3A_151 = arith.constant 0 : i32
        %add3A_152 = arith.addi %add3A_150, %add3A_151 : i32
        %dma_start3A_153 = arith.constant 0 : i32
        %dma_start3A_154 = tpu.memref_slice %arg7[%add3A_152, %dma_start3A_153] : memref<152x128xi32, #tpu.memory_space<vmem>> -> memref<1x128xi32, #tpu.memory_space<vmem>>
        %dma_start3A_155 = tpu.memref_squeeze %dma_start3A_154 : memref<1x128xi32, #tpu.memory_space<vmem>> -> memref<128xi32, #tpu.memory_space<vmem>>
        %dma_start3A_156 = arith.constant 0 : i32
        %dma_start3A_157 = arith.constant 0 : i32
        %dma_start3A_158 = tpu.memref_slice %arg2[%dma_start3A_156, %dma_start3A_157] : memref<10000x16xf32, #tpu.memory_space<hbm>> -> memref<10000x16xf32, #tpu.memory_space<hbm>>
        tpu.enqueue_indirect_dma source(%dma_start3A_158 : memref<10000x16xf32, #tpu.memory_space<hbm>>) target(%arg9 : memref<128x16xf32, #tpu.memory_space<vmem>>) offsets(%dma_start3A_155 : memref<128xi32, #tpu.memory_space<vmem>>) semaphore(%arg14 : memref<!tpu.dma_semaphore, #tpu.memory_space<semaphore_mem>>)
      } else {
      }
      %dma_wait3A_98 = arith.constant 0 : i32
      %dma_wait3A_99 = arith.constant 0 : i32
      %dma_wait3A_100 = tpu.memref_slice %arg7[%dma_wait3A_98, %dma_wait3A_99] : memref<152x128xi32, #tpu.memory_space<vmem>> -> memref<1x128xi32, #tpu.memory_space<vmem>>
      %dma_wait3A_101 = tpu.memref_squeeze %dma_wait3A_100 : memref<1x128xi32, #tpu.memory_space<vmem>> -> memref<128xi32, #tpu.memory_space<vmem>>
      %dma_wait3A_102 = arith.constant 0 : i32
      %dma_wait3A_103 = arith.constant 0 : i32
      %dma_wait3A_104 = tpu.memref_slice %arg2[%dma_wait3A_102, %dma_wait3A_103] : memref<10000x16xf32, #tpu.memory_space<hbm>> -> memref<10000x16xf32, #tpu.memory_space<hbm>>
      tpu.wait_indirect_dma semaphore(%arg15 : memref<!tpu.dma_semaphore, #tpu.memory_space<semaphore_mem>>) src(%dma_wait3A_104 : memref<10000x16xf32, #tpu.memory_space<hbm>>) dst(%arg10 : memref<128x16xf32, #tpu.memory_space<vmem>>)
      %add3A_105 = arith.constant 1 : i32
      %add3A_106 = arith.addi %mul3A_82, %add3A_105 : i32
      "tpu.region"() ({
        %run_scoped3A = tpu.sem_alloc : memref<!tpu.dma_semaphore, #tpu.memory_space<semaphore_mem>>
        %dma_start3A_149 = arith.constant 0 : i32
        %dma_start3A_150 = tpu.memref_slice %arg8[%add3A_106, %dma_start3A_149] : memref<152x128xi32, #tpu.memory_space<vmem>> -> memref<1x128xi32, #tpu.memory_space<vmem>>
        %dma_start3A_151 = tpu.memref_squeeze %dma_start3A_150 : memref<1x128xi32, #tpu.memory_space<vmem>> -> memref<128xi32, #tpu.memory_space<vmem>>
        %dma_start3A_152 = arith.constant 0 : i32
        %dma_start3A_153 = arith.constant 0 : i32
        %dma_start3A_154 = tpu.memref_slice %arg13[%dma_start3A_152, %dma_start3A_153] : memref<10112x16xf32, #tpu.memory_space<vmem_shared>> -> memref<10112x16xf32, #tpu.memory_space<vmem_shared>>
        tpu.enqueue_indirect_dma source(%arg10 : memref<128x16xf32, #tpu.memory_space<vmem>>) target(%dma_start3A_154 : memref<10112x16xf32, #tpu.memory_space<vmem_shared>>) offsets(%dma_start3A_151 : memref<128xi32, #tpu.memory_space<vmem>>) semaphore(%run_scoped3A : memref<!tpu.dma_semaphore, #tpu.memory_space<semaphore_mem>>) {add = true}
        %dma_wait3A_155 = arith.constant 0 : i32
        %dma_wait3A_156 = tpu.memref_slice %arg8[%add3A_106, %dma_wait3A_155] : memref<152x128xi32, #tpu.memory_space<vmem>> -> memref<1x128xi32, #tpu.memory_space<vmem>>
        %dma_wait3A_157 = tpu.memref_squeeze %dma_wait3A_156 : memref<1x128xi32, #tpu.memory_space<vmem>> -> memref<128xi32, #tpu.memory_space<vmem>>
        %dma_wait3A_158 = arith.constant 0 : i32
        %dma_wait3A_159 = arith.constant 0 : i32
        %dma_wait3A_160 = tpu.memref_slice %arg13[%dma_wait3A_158, %dma_wait3A_159] : memref<10112x16xf32, #tpu.memory_space<vmem_shared>> -> memref<10112x16xf32, #tpu.memory_space<vmem_shared>>
        tpu.wait_indirect_dma semaphore(%run_scoped3A : memref<!tpu.dma_semaphore, #tpu.memory_space<semaphore_mem>>) src(%arg10 : memref<128x16xf32, #tpu.memory_space<vmem>>) dst(%dma_wait3A_160 : memref<10112x16xf32, #tpu.memory_space<vmem_shared>>)
        tpu.yield
      }) : () -> ()
      %add3A_107 = arith.constant 4 : i32
      %add3A_108 = arith.addi %mul3A_82, %add3A_107 : i32
      %add3A_109 = arith.constant 1 : i32
      %add3A_110 = arith.addi %add3A_108, %add3A_109 : i32
      %lt3A_111 = arith.cmpi slt, %add3A_110, %select_n3A_5 : i32
      %convert_element_type3A_112 = arith.extui %lt3A_111 : i1 to i32
      %cond3A_113 = arith.constant 0 : i32
      %cond3A_114 = arith.cmpi ne, %convert_element_type3A_112, %cond3A_113 : i32
      scf.if %cond3A_114 {
        %add3A_149 = arith.constant 4 : i32
        %add3A_150 = arith.addi %mul3A_82, %add3A_149 : i32
        %add3A_151 = arith.constant 1 : i32
        %add3A_152 = arith.addi %add3A_150, %add3A_151 : i32
        %dma_start3A_153 = arith.constant 0 : i32
        %dma_start3A_154 = tpu.memref_slice %arg7[%add3A_152, %dma_start3A_153] : memref<152x128xi32, #tpu.memory_space<vmem>> -> memref<1x128xi32, #tpu.memory_space<vmem>>
        %dma_start3A_155 = tpu.memref_squeeze %dma_start3A_154 : memref<1x128xi32, #tpu.memory_space<vmem>> -> memref<128xi32, #tpu.memory_space<vmem>>
        %dma_start3A_156 = arith.constant 0 : i32
        %dma_start3A_157 = arith.constant 0 : i32
        %dma_start3A_158 = tpu.memref_slice %arg2[%dma_start3A_156, %dma_start3A_157] : memref<10000x16xf32, #tpu.memory_space<hbm>> -> memref<10000x16xf32, #tpu.memory_space<hbm>>
        tpu.enqueue_indirect_dma source(%dma_start3A_158 : memref<10000x16xf32, #tpu.memory_space<hbm>>) target(%arg10 : memref<128x16xf32, #tpu.memory_space<vmem>>) offsets(%dma_start3A_155 : memref<128xi32, #tpu.memory_space<vmem>>) semaphore(%arg15 : memref<!tpu.dma_semaphore, #tpu.memory_space<semaphore_mem>>)
      } else {
      }
      %dma_wait3A_115 = arith.constant 0 : i32
      %dma_wait3A_116 = arith.constant 0 : i32
      %dma_wait3A_117 = tpu.memref_slice %arg7[%dma_wait3A_115, %dma_wait3A_116] : memref<152x128xi32, #tpu.memory_space<vmem>> -> memref<1x128xi32, #tpu.memory_space<vmem>>
      %dma_wait3A_118 = tpu.memref_squeeze %dma_wait3A_117 : memref<1x128xi32, #tpu.memory_space<vmem>> -> memref<128xi32, #tpu.memory_space<vmem>>
      %dma_wait3A_119 = arith.constant 0 : i32
      %dma_wait3A_120 = arith.constant 0 : i32
      %dma_wait3A_121 = tpu.memref_slice %arg2[%dma_wait3A_119, %dma_wait3A_120] : memref<10000x16xf32, #tpu.memory_space<hbm>> -> memref<10000x16xf32, #tpu.memory_space<hbm>>
      tpu.wait_indirect_dma semaphore(%arg16 : memref<!tpu.dma_semaphore, #tpu.memory_space<semaphore_mem>>) src(%dma_wait3A_121 : memref<10000x16xf32, #tpu.memory_space<hbm>>) dst(%arg11 : memref<128x16xf32, #tpu.memory_space<vmem>>)
      %add3A_122 = arith.constant 2 : i32
      %add3A_123 = arith.addi %mul3A_82, %add3A_122 : i32
      "tpu.region"() ({
        %run_scoped3A = tpu.sem_alloc : memref<!tpu.dma_semaphore, #tpu.memory_space<semaphore_mem>>
        %dma_start3A_149 = arith.constant 0 : i32
        %dma_start3A_150 = tpu.memref_slice %arg8[%add3A_123, %dma_start3A_149] : memref<152x128xi32, #tpu.memory_space<vmem>> -> memref<1x128xi32, #tpu.memory_space<vmem>>
        %dma_start3A_151 = tpu.memref_squeeze %dma_start3A_150 : memref<1x128xi32, #tpu.memory_space<vmem>> -> memref<128xi32, #tpu.memory_space<vmem>>
        %dma_start3A_152 = arith.constant 0 : i32
        %dma_start3A_153 = arith.constant 0 : i32
        %dma_start3A_154 = tpu.memref_slice %arg13[%dma_start3A_152, %dma_start3A_153] : memref<10112x16xf32, #tpu.memory_space<vmem_shared>> -> memref<10112x16xf32, #tpu.memory_space<vmem_shared>>
        tpu.enqueue_indirect_dma source(%arg11 : memref<128x16xf32, #tpu.memory_space<vmem>>) target(%dma_start3A_154 : memref<10112x16xf32, #tpu.memory_space<vmem_shared>>) offsets(%dma_start3A_151 : memref<128xi32, #tpu.memory_space<vmem>>) semaphore(%run_scoped3A : memref<!tpu.dma_semaphore, #tpu.memory_space<semaphore_mem>>) {add = true}
        %dma_wait3A_155 = arith.constant 0 : i32
        %dma_wait3A_156 = tpu.memref_slice %arg8[%add3A_123, %dma_wait3A_155] : memref<152x128xi32, #tpu.memory_space<vmem>> -> memref<1x128xi32, #tpu.memory_space<vmem>>
        %dma_wait3A_157 = tpu.memref_squeeze %dma_wait3A_156 : memref<1x128xi32, #tpu.memory_space<vmem>> -> memref<128xi32, #tpu.memory_space<vmem>>
        %dma_wait3A_158 = arith.constant 0 : i32
        %dma_wait3A_159 = arith.constant 0 : i32
        %dma_wait3A_160 = tpu.memref_slice %arg13[%dma_wait3A_158, %dma_wait3A_159] : memref<10112x16xf32, #tpu.memory_space<vmem_shared>> -> memref<10112x16xf32, #tpu.memory_space<vmem_shared>>
        tpu.wait_indirect_dma semaphore(%run_scoped3A : memref<!tpu.dma_semaphore, #tpu.memory_space<semaphore_mem>>) src(%arg11 : memref<128x16xf32, #tpu.memory_space<vmem>>) dst(%dma_wait3A_160 : memref<10112x16xf32, #tpu.memory_space<vmem_shared>>)
        tpu.yield
      }) : () -> ()
      %add3A_124 = arith.constant 4 : i32
      %add3A_125 = arith.addi %mul3A_82, %add3A_124 : i32
      %add3A_126 = arith.constant 2 : i32
      %add3A_127 = arith.addi %add3A_125, %add3A_126 : i32
      %lt3A_128 = arith.cmpi slt, %add3A_127, %select_n3A_5 : i32
      %convert_element_type3A_129 = arith.extui %lt3A_128 : i1 to i32
      %cond3A_130 = arith.constant 0 : i32
      %cond3A_131 = arith.cmpi ne, %convert_element_type3A_129, %cond3A_130 : i32
      scf.if %cond3A_131 {
        %add3A_149 = arith.constant 4 : i32
        %add3A_150 = arith.addi %mul3A_82, %add3A_149 : i32
        %add3A_151 = arith.constant 2 : i32
        %add3A_152 = arith.addi %add3A_150, %add3A_151 : i32
        %dma_start3A_153 = arith.constant 0 : i32
        %dma_start3A_154 = tpu.memref_slice %arg7[%add3A_152, %dma_start3A_153] : memref<152x128xi32, #tpu.memory_space<vmem>> -> memref<1x128xi32, #tpu.memory_space<vmem>>
        %dma_start3A_155 = tpu.memref_squeeze %dma_start3A_154 : memref<1x128xi32, #tpu.memory_space<vmem>> -> memref<128xi32, #tpu.memory_space<vmem>>
        %dma_start3A_156 = arith.constant 0 : i32
        %dma_start3A_157 = arith.constant 0 : i32
        %dma_start3A_158 = tpu.memref_slice %arg2[%dma_start3A_156, %dma_start3A_157] : memref<10000x16xf32, #tpu.memory_space<hbm>> -> memref<10000x16xf32, #tpu.memory_space<hbm>>
        tpu.enqueue_indirect_dma source(%dma_start3A_158 : memref<10000x16xf32, #tpu.memory_space<hbm>>) target(%arg11 : memref<128x16xf32, #tpu.memory_space<vmem>>) offsets(%dma_start3A_155 : memref<128xi32, #tpu.memory_space<vmem>>) semaphore(%arg16 : memref<!tpu.dma_semaphore, #tpu.memory_space<semaphore_mem>>)
      } else {
      }
      %dma_wait3A_132 = arith.constant 0 : i32
      %dma_wait3A_133 = arith.constant 0 : i32
      %dma_wait3A_134 = tpu.memref_slice %arg7[%dma_wait3A_132, %dma_wait3A_133] : memref<152x128xi32, #tpu.memory_space<vmem>> -> memref<1x128xi32, #tpu.memory_space<vmem>>
      %dma_wait3A_135 = tpu.memref_squeeze %dma_wait3A_134 : memref<1x128xi32, #tpu.memory_space<vmem>> -> memref<128xi32, #tpu.memory_space<vmem>>
      %dma_wait3A_136 = arith.constant 0 : i32
      %dma_wait3A_137 = arith.constant 0 : i32
      %dma_wait3A_138 = tpu.memref_slice %arg2[%dma_wait3A_136, %dma_wait3A_137] : memref<10000x16xf32, #tpu.memory_space<hbm>> -> memref<10000x16xf32, #tpu.memory_space<hbm>>
      tpu.wait_indirect_dma semaphore(%arg17 : memref<!tpu.dma_semaphore, #tpu.memory_space<semaphore_mem>>) src(%dma_wait3A_138 : memref<10000x16xf32, #tpu.memory_space<hbm>>) dst(%arg12 : memref<128x16xf32, #tpu.memory_space<vmem>>)
      %add3A_139 = arith.constant 3 : i32
      %add3A_140 = arith.addi %mul3A_82, %add3A_139 : i32
      "tpu.region"() ({
        %run_scoped3A = tpu.sem_alloc : memref<!tpu.dma_semaphore, #tpu.memory_space<semaphore_mem>>
        %dma_start3A_149 = arith.constant 0 : i32
        %dma_start3A_150 = tpu.memref_slice %arg8[%add3A_140, %dma_start3A_149] : memref<152x128xi32, #tpu.memory_space<vmem>> -> memref<1x128xi32, #tpu.memory_space<vmem>>
        %dma_start3A_151 = tpu.memref_squeeze %dma_start3A_150 : memref<1x128xi32, #tpu.memory_space<vmem>> -> memref<128xi32, #tpu.memory_space<vmem>>
        %dma_start3A_152 = arith.constant 0 : i32
        %dma_start3A_153 = arith.constant 0 : i32
        %dma_start3A_154 = tpu.memref_slice %arg13[%dma_start3A_152, %dma_start3A_153] : memref<10112x16xf32, #tpu.memory_space<vmem_shared>> -> memref<10112x16xf32, #tpu.memory_space<vmem_shared>>
        tpu.enqueue_indirect_dma source(%arg12 : memref<128x16xf32, #tpu.memory_space<vmem>>) target(%dma_start3A_154 : memref<10112x16xf32, #tpu.memory_space<vmem_shared>>) offsets(%dma_start3A_151 : memref<128xi32, #tpu.memory_space<vmem>>) semaphore(%run_scoped3A : memref<!tpu.dma_semaphore, #tpu.memory_space<semaphore_mem>>) {add = true}
        %dma_wait3A_155 = arith.constant 0 : i32
        %dma_wait3A_156 = tpu.memref_slice %arg8[%add3A_140, %dma_wait3A_155] : memref<152x128xi32, #tpu.memory_space<vmem>> -> memref<1x128xi32, #tpu.memory_space<vmem>>
        %dma_wait3A_157 = tpu.memref_squeeze %dma_wait3A_156 : memref<1x128xi32, #tpu.memory_space<vmem>> -> memref<128xi32, #tpu.memory_space<vmem>>
        %dma_wait3A_158 = arith.constant 0 : i32
        %dma_wait3A_159 = arith.constant 0 : i32
        %dma_wait3A_160 = tpu.memref_slice %arg13[%dma_wait3A_158, %dma_wait3A_159] : memref<10112x16xf32, #tpu.memory_space<vmem_shared>> -> memref<10112x16xf32, #tpu.memory_space<vmem_shared>>
        tpu.wait_indirect_dma semaphore(%run_scoped3A : memref<!tpu.dma_semaphore, #tpu.memory_space<semaphore_mem>>) src(%arg12 : memref<128x16xf32, #tpu.memory_space<vmem>>) dst(%dma_wait3A_160 : memref<10112x16xf32, #tpu.memory_space<vmem_shared>>)
        tpu.yield
      }) : () -> ()
      %add3A_141 = arith.constant 4 : i32
      %add3A_142 = arith.addi %mul3A_82, %add3A_141 : i32
      %add3A_143 = arith.constant 3 : i32
      %add3A_144 = arith.addi %add3A_142, %add3A_143 : i32
      %lt3A_145 = arith.cmpi slt, %add3A_144, %select_n3A_5 : i32
      %convert_element_type3A_146 = arith.extui %lt3A_145 : i1 to i32
      %cond3A_147 = arith.constant 0 : i32
      %cond3A_148 = arith.cmpi ne, %convert_element_type3A_146, %cond3A_147 : i32
      scf.if %cond3A_148 {
        %add3A_149 = arith.constant 4 : i32
        %add3A_150 = arith.addi %mul3A_82, %add3A_149 : i32
        %add3A_151 = arith.constant 3 : i32
        %add3A_152 = arith.addi %add3A_150, %add3A_151 : i32
        %dma_start3A_153 = arith.constant 0 : i32
        %dma_start3A_154 = tpu.memref_slice %arg7[%add3A_152, %dma_start3A_153] : memref<152x128xi32, #tpu.memory_space<vmem>> -> memref<1x128xi32, #tpu.memory_space<vmem>>
        %dma_start3A_155 = tpu.memref_squeeze %dma_start3A_154 : memref<1x128xi32, #tpu.memory_space<vmem>> -> memref<128xi32, #tpu.memory_space<vmem>>
        %dma_start3A_156 = arith.constant 0 : i32
        %dma_start3A_157 = arith.constant 0 : i32
        %dma_start3A_158 = tpu.memref_slice %arg2[%dma_start3A_156, %dma_start3A_157] : memref<10000x16xf32, #tpu.memory_space<hbm>> -> memref<10000x16xf32, #tpu.memory_space<hbm>>
        tpu.enqueue_indirect_dma source(%dma_start3A_158 : memref<10000x16xf32, #tpu.memory_space<hbm>>) target(%arg12 : memref<128x16xf32, #tpu.memory_space<vmem>>) offsets(%dma_start3A_155 : memref<128xi32, #tpu.memory_space<vmem>>) semaphore(%arg17 : memref<!tpu.dma_semaphore, #tpu.memory_space<semaphore_mem>>)
      } else {
      }
    }
    %while3A_74 = arith.constant 1 : i32
    scf.for %while3A_80 = %while3A_72 to %while3A_68 step %while3A_74  : i32 {
      %mul3A_81 = arith.constant 4 : i32
      %mul3A_82 = arith.muli %while3A_80, %mul3A_81 : i32
      %dma_wait3A = arith.constant 0 : i32
      %dma_wait3A_83 = arith.constant 0 : i32
      %dma_wait3A_84 = tpu.memref_slice %arg7[%dma_wait3A, %dma_wait3A_83] : memref<152x128xi32, #tpu.memory_space<vmem>> -> memref<1x128xi32, #tpu.memory_space<vmem>>
      %dma_wait3A_85 = tpu.memref_squeeze %dma_wait3A_84 : memref<1x128xi32, #tpu.memory_space<vmem>> -> memref<128xi32, #tpu.memory_space<vmem>>
      %dma_wait3A_86 = arith.constant 0 : i32
      %dma_wait3A_87 = arith.constant 0 : i32
      %dma_wait3A_88 = tpu.memref_slice %arg2[%dma_wait3A_86, %dma_wait3A_87] : memref<10000x16xf32, #tpu.memory_space<hbm>> -> memref<10000x16xf32, #tpu.memory_space<hbm>>
      tpu.wait_indirect_dma semaphore(%arg14 : memref<!tpu.dma_semaphore, #tpu.memory_space<semaphore_mem>>) src(%dma_wait3A_88 : memref<10000x16xf32, #tpu.memory_space<hbm>>) dst(%arg9 : memref<128x16xf32, #tpu.memory_space<vmem>>)
      %add3A_89 = arith.constant 0 : i32
      %add3A_90 = arith.addi %mul3A_82, %add3A_89 : i32
      "tpu.region"() ({
        %run_scoped3A = tpu.sem_alloc : memref<!tpu.dma_semaphore, #tpu.memory_space<semaphore_mem>>
        %dma_start3A_149 = arith.constant 0 : i32
        %dma_start3A_150 = tpu.memref_slice %arg8[%add3A_90, %dma_start3A_149] : memref<152x128xi32, #tpu.memory_space<vmem>> -> memref<1x128xi32, #tpu.memory_space<vmem>>
        %dma_start3A_151 = tpu.memref_squeeze %dma_start3A_150 : memref<1x128xi32, #tpu.memory_space<vmem>> -> memref<128xi32, #tpu.memory_space<vmem>>
        %dma_start3A_152 = arith.constant 0 : i32
        %dma_start3A_153 = arith.constant 0 : i32
        %dma_start3A_154 = tpu.memref_slice %arg13[%dma_start3A_152, %dma_start3A_153] : memref<10112x16xf32, #tpu.memory_space<vmem_shared>> -> memref<10112x16xf32, #tpu.memory_space<vmem_shared>>
        tpu.enqueue_indirect_dma source(%arg9 : memref<128x16xf32, #tpu.memory_space<vmem>>) target(%dma_start3A_154 : memref<10112x16xf32, #tpu.memory_space<vmem_shared>>) offsets(%dma_start3A_151 : memref<128xi32, #tpu.memory_space<vmem>>) semaphore(%run_scoped3A : memref<!tpu.dma_semaphore, #tpu.memory_space<semaphore_mem>>) {add = true}
        %dma_wait3A_155 = arith.constant 0 : i32
        %dma_wait3A_156 = tpu.memref_slice %arg8[%add3A_90, %dma_wait3A_155] : memref<152x128xi32, #tpu.memory_space<vmem>> -> memref<1x128xi32, #tpu.memory_space<vmem>>
        %dma_wait3A_157 = tpu.memref_squeeze %dma_wait3A_156 : memref<1x128xi32, #tpu.memory_space<vmem>> -> memref<128xi32, #tpu.memory_space<vmem>>
        %dma_wait3A_158 = arith.constant 0 : i32
        %dma_wait3A_159 = arith.constant 0 : i32
        %dma_wait3A_160 = tpu.memref_slice %arg13[%dma_wait3A_158, %dma_wait3A_159] : memref<10112x16xf32, #tpu.memory_space<vmem_shared>> -> memref<10112x16xf32, #tpu.memory_space<vmem_shared>>
        tpu.wait_indirect_dma semaphore(%run_scoped3A : memref<!tpu.dma_semaphore, #tpu.memory_space<semaphore_mem>>) src(%arg9 : memref<128x16xf32, #tpu.memory_space<vmem>>) dst(%dma_wait3A_160 : memref<10112x16xf32, #tpu.memory_space<vmem_shared>>)
        tpu.yield
      }) : () -> ()
      %add3A_91 = arith.constant 4 : i32
      %add3A_92 = arith.addi %mul3A_82, %add3A_91 : i32
      %add3A_93 = arith.constant 0 : i32
      %add3A_94 = arith.addi %add3A_92, %add3A_93 : i32
      %lt3A = arith.cmpi slt, %add3A_94, %select_n3A_5 : i32
      %convert_element_type3A_95 = arith.extui %lt3A : i1 to i32
      %cond3A_96 = arith.constant 0 : i32
      %cond3A_97 = arith.cmpi ne, %convert_element_type3A_95, %cond3A_96 : i32
      scf.if %cond3A_97 {
        %add3A_149 = arith.constant 4 : i32
        %add3A_150 = arith.addi %mul3A_82, %add3A_149 : i32
        %add3A_151 = arith.constant 0 : i32
        %add3A_152 = arith.addi %add3A_150, %add3A_151 : i32
        %dma_start3A_153 = arith.constant 0 : i32
        %dma_start3A_154 = tpu.memref_slice %arg7[%add3A_152, %dma_start3A_153] : memref<152x128xi32, #tpu.memory_space<vmem>> -> memref<1x128xi32, #tpu.memory_space<vmem>>
        %dma_start3A_155 = tpu.memref_squeeze %dma_start3A_154 : memref<1x128xi32, #tpu.memory_space<vmem>> -> memref<128xi32, #tpu.memory_space<vmem>>
        %dma_start3A_156 = arith.constant 0 : i32
        %dma_start3A_157 = arith.constant 0 : i32
        %dma_start3A_158 = tpu.memref_slice %arg2[%dma_start3A_156, %dma_start3A_157] : memref<10000x16xf32, #tpu.memory_space<hbm>> -> memref<10000x16xf32, #tpu.memory_space<hbm>>
        tpu.enqueue_indirect_dma source(%dma_start3A_158 : memref<10000x16xf32, #tpu.memory_space<hbm>>) target(%arg9 : memref<128x16xf32, #tpu.memory_space<vmem>>) offsets(%dma_start3A_155 : memref<128xi32, #tpu.memory_space<vmem>>) semaphore(%arg14 : memref<!tpu.dma_semaphore, #tpu.memory_space<semaphore_mem>>)
      } else {
      }
      %dma_wait3A_98 = arith.constant 0 : i32
      %dma_wait3A_99 = arith.constant 0 : i32
      %dma_wait3A_100 = tpu.memref_slice %arg7[%dma_wait3A_98, %dma_wait3A_99] : memref<152x128xi32, #tpu.memory_space<vmem>> -> memref<1x128xi32, #tpu.memory_space<vmem>>
      %dma_wait3A_101 = tpu.memref_squeeze %dma_wait3A_100 : memref<1x128xi32, #tpu.memory_space<vmem>> -> memref<128xi32, #tpu.memory_space<vmem>>
      %dma_wait3A_102 = arith.constant 0 : i32
      %dma_wait3A_103 = arith.constant 0 : i32
      %dma_wait3A_104 = tpu.memref_slice %arg2[%dma_wait3A_102, %dma_wait3A_103] : memref<10000x16xf32, #tpu.memory_space<hbm>> -> memref<10000x16xf32, #tpu.memory_space<hbm>>
      tpu.wait_indirect_dma semaphore(%arg15 : memref<!tpu.dma_semaphore, #tpu.memory_space<semaphore_mem>>) src(%dma_wait3A_104 : memref<10000x16xf32, #tpu.memory_space<hbm>>) dst(%arg10 : memref<128x16xf32, #tpu.memory_space<vmem>>)
      %add3A_105 = arith.constant 1 : i32
      %add3A_106 = arith.addi %mul3A_82, %add3A_105 : i32
      "tpu.region"() ({
        %run_scoped3A = tpu.sem_alloc : memref<!tpu.dma_semaphore, #tpu.memory_space<semaphore_mem>>
        %dma_start3A_149 = arith.constant 0 : i32
        %dma_start3A_150 = tpu.memref_slice %arg8[%add3A_106, %dma_start3A_149] : memref<152x128xi32, #tpu.memory_space<vmem>> -> memref<1x128xi32, #tpu.memory_space<vmem>>
        %dma_start3A_151 = tpu.memref_squeeze %dma_start3A_150 : memref<1x128xi32, #tpu.memory_space<vmem>> -> memref<128xi32, #tpu.memory_space<vmem>>
        %dma_start3A_152 = arith.constant 0 : i32
        %dma_start3A_153 = arith.constant 0 : i32
        %dma_start3A_154 = tpu.memref_slice %arg13[%dma_start3A_152, %dma_start3A_153] : memref<10112x16xf32, #tpu.memory_space<vmem_shared>> -> memref<10112x16xf32, #tpu.memory_space<vmem_shared>>
        tpu.enqueue_indirect_dma source(%arg10 : memref<128x16xf32, #tpu.memory_space<vmem>>) target(%dma_start3A_154 : memref<10112x16xf32, #tpu.memory_space<vmem_shared>>) offsets(%dma_start3A_151 : memref<128xi32, #tpu.memory_space<vmem>>) semaphore(%run_scoped3A : memref<!tpu.dma_semaphore, #tpu.memory_space<semaphore_mem>>) {add = true}
        %dma_wait3A_155 = arith.constant 0 : i32
        %dma_wait3A_156 = tpu.memref_slice %arg8[%add3A_106, %dma_wait3A_155] : memref<152x128xi32, #tpu.memory_space<vmem>> -> memref<1x128xi32, #tpu.memory_space<vmem>>
        %dma_wait3A_157 = tpu.memref_squeeze %dma_wait3A_156 : memref<1x128xi32, #tpu.memory_space<vmem>> -> memref<128xi32, #tpu.memory_space<vmem>>
        %dma_wait3A_158 = arith.constant 0 : i32
        %dma_wait3A_159 = arith.constant 0 : i32
        %dma_wait3A_160 = tpu.memref_slice %arg13[%dma_wait3A_158, %dma_wait3A_159] : memref<10112x16xf32, #tpu.memory_space<vmem_shared>> -> memref<10112x16xf32, #tpu.memory_space<vmem_shared>>
        tpu.wait_indirect_dma semaphore(%run_scoped3A : memref<!tpu.dma_semaphore, #tpu.memory_space<semaphore_mem>>) src(%arg10 : memref<128x16xf32, #tpu.memory_space<vmem>>) dst(%dma_wait3A_160 : memref<10112x16xf32, #tpu.memory_space<vmem_shared>>)
        tpu.yield
      }) : () -> ()
      %add3A_107 = arith.constant 4 : i32
      %add3A_108 = arith.addi %mul3A_82, %add3A_107 : i32
      %add3A_109 = arith.constant 1 : i32
      %add3A_110 = arith.addi %add3A_108, %add3A_109 : i32
      %lt3A_111 = arith.cmpi slt, %add3A_110, %select_n3A_5 : i32
      %convert_element_type3A_112 = arith.extui %lt3A_111 : i1 to i32
      %cond3A_113 = arith.constant 0 : i32
      %cond3A_114 = arith.cmpi ne, %convert_element_type3A_112, %cond3A_113 : i32
      scf.if %cond3A_114 {
        %add3A_149 = arith.constant 4 : i32
        %add3A_150 = arith.addi %mul3A_82, %add3A_149 : i32
        %add3A_151 = arith.constant 1 : i32
        %add3A_152 = arith.addi %add3A_150, %add3A_151 : i32
        %dma_start3A_153 = arith.constant 0 : i32
        %dma_start3A_154 = tpu.memref_slice %arg7[%add3A_152, %dma_start3A_153] : memref<152x128xi32, #tpu.memory_space<vmem>> -> memref<1x128xi32, #tpu.memory_space<vmem>>
        %dma_start3A_155 = tpu.memref_squeeze %dma_start3A_154 : memref<1x128xi32, #tpu.memory_space<vmem>> -> memref<128xi32, #tpu.memory_space<vmem>>
        %dma_start3A_156 = arith.constant 0 : i32
        %dma_start3A_157 = arith.constant 0 : i32
        %dma_start3A_158 = tpu.memref_slice %arg2[%dma_start3A_156, %dma_start3A_157] : memref<10000x16xf32, #tpu.memory_space<hbm>> -> memref<10000x16xf32, #tpu.memory_space<hbm>>
        tpu.enqueue_indirect_dma source(%dma_start3A_158 : memref<10000x16xf32, #tpu.memory_space<hbm>>) target(%arg10 : memref<128x16xf32, #tpu.memory_space<vmem>>) offsets(%dma_start3A_155 : memref<128xi32, #tpu.memory_space<vmem>>) semaphore(%arg15 : memref<!tpu.dma_semaphore, #tpu.memory_space<semaphore_mem>>)
      } else {
      }
      %dma_wait3A_115 = arith.constant 0 : i32
      %dma_wait3A_116 = arith.constant 0 : i32
      %dma_wait3A_117 = tpu.memref_slice %arg7[%dma_wait3A_115, %dma_wait3A_116] : memref<152x128xi32, #tpu.memory_space<vmem>> -> memref<1x128xi32, #tpu.memory_space<vmem>>
      %dma_wait3A_118 = tpu.memref_squeeze %dma_wait3A_117 : memref<1x128xi32, #tpu.memory_space<vmem>> -> memref<128xi32, #tpu.memory_space<vmem>>
      %dma_wait3A_119 = arith.constant 0 : i32
      %dma_wait3A_120 = arith.constant 0 : i32
      %dma_wait3A_121 = tpu.memref_slice %arg2[%dma_wait3A_119, %dma_wait3A_120] : memref<10000x16xf32, #tpu.memory_space<hbm>> -> memref<10000x16xf32, #tpu.memory_space<hbm>>
      tpu.wait_indirect_dma semaphore(%arg16 : memref<!tpu.dma_semaphore, #tpu.memory_space<semaphore_mem>>) src(%dma_wait3A_121 : memref<10000x16xf32, #tpu.memory_space<hbm>>) dst(%arg11 : memref<128x16xf32, #tpu.memory_space<vmem>>)
      %add3A_122 = arith.constant 2 : i32
      %add3A_123 = arith.addi %mul3A_82, %add3A_122 : i32
      "tpu.region"() ({
        %run_scoped3A = tpu.sem_alloc : memref<!tpu.dma_semaphore, #tpu.memory_space<semaphore_mem>>
        %dma_start3A_149 = arith.constant 0 : i32
        %dma_start3A_150 = tpu.memref_slice %arg8[%add3A_123, %dma_start3A_149] : memref<152x128xi32, #tpu.memory_space<vmem>> -> memref<1x128xi32, #tpu.memory_space<vmem>>
        %dma_start3A_151 = tpu.memref_squeeze %dma_start3A_150 : memref<1x128xi32, #tpu.memory_space<vmem>> -> memref<128xi32, #tpu.memory_space<vmem>>
        %dma_start3A_152 = arith.constant 0 : i32
        %dma_start3A_153 = arith.constant 0 : i32
        %dma_start3A_154 = tpu.memref_slice %arg13[%dma_start3A_152, %dma_start3A_153] : memref<10112x16xf32, #tpu.memory_space<vmem_shared>> -> memref<10112x16xf32, #tpu.memory_space<vmem_shared>>
        tpu.enqueue_indirect_dma source(%arg11 : memref<128x16xf32, #tpu.memory_space<vmem>>) target(%dma_start3A_154 : memref<10112x16xf32, #tpu.memory_space<vmem_shared>>) offsets(%dma_start3A_151 : memref<128xi32, #tpu.memory_space<vmem>>) semaphore(%run_scoped3A : memref<!tpu.dma_semaphore, #tpu.memory_space<semaphore_mem>>) {add = true}
        %dma_wait3A_155 = arith.constant 0 : i32
        %dma_wait3A_156 = tpu.memref_slice %arg8[%add3A_123, %dma_wait3A_155] : memref<152x128xi32, #tpu.memory_space<vmem>> -> memref<1x128xi32, #tpu.memory_space<vmem>>
        %dma_wait3A_157 = tpu.memref_squeeze %dma_wait3A_156 : memref<1x128xi32, #tpu.memory_space<vmem>> -> memref<128xi32, #tpu.memory_space<vmem>>
        %dma_wait3A_158 = arith.constant 0 : i32
        %dma_wait3A_159 = arith.constant 0 : i32
        %dma_wait3A_160 = tpu.memref_slice %arg13[%dma_wait3A_158, %dma_wait3A_159] : memref<10112x16xf32, #tpu.memory_space<vmem_shared>> -> memref<10112x16xf32, #tpu.memory_space<vmem_shared>>
        tpu.wait_indirect_dma semaphore(%run_scoped3A : memref<!tpu.dma_semaphore, #tpu.memory_space<semaphore_mem>>) src(%arg11 : memref<128x16xf32, #tpu.memory_space<vmem>>) dst(%dma_wait3A_160 : memref<10112x16xf32, #tpu.memory_space<vmem_shared>>)
        tpu.yield
      }) : () -> ()
      %add3A_124 = arith.constant 4 : i32
      %add3A_125 = arith.addi %mul3A_82, %add3A_124 : i32
      %add3A_126 = arith.constant 2 : i32
      %add3A_127 = arith.addi %add3A_125, %add3A_126 : i32
      %lt3A_128 = arith.cmpi slt, %add3A_127, %select_n3A_5 : i32
      %convert_element_type3A_129 = arith.extui %lt3A_128 : i1 to i32
      %cond3A_130 = arith.constant 0 : i32
      %cond3A_131 = arith.cmpi ne, %convert_element_type3A_129, %cond3A_130 : i32
      scf.if %cond3A_131 {
        %add3A_149 = arith.constant 4 : i32
        %add3A_150 = arith.addi %mul3A_82, %add3A_149 : i32
        %add3A_151 = arith.constant 2 : i32
        %add3A_152 = arith.addi %add3A_150, %add3A_151 : i32
        %dma_start3A_153 = arith.constant 0 : i32
        %dma_start3A_154 = tpu.memref_slice %arg7[%add3A_152, %dma_start3A_153] : memref<152x128xi32, #tpu.memory_space<vmem>> -> memref<1x128xi32, #tpu.memory_space<vmem>>
        %dma_start3A_155 = tpu.memref_squeeze %dma_start3A_154 : memref<1x128xi32, #tpu.memory_space<vmem>> -> memref<128xi32, #tpu.memory_space<vmem>>
        %dma_start3A_156 = arith.constant 0 : i32
        %dma_start3A_157 = arith.constant 0 : i32
        %dma_start3A_158 = tpu.memref_slice %arg2[%dma_start3A_156, %dma_start3A_157] : memref<10000x16xf32, #tpu.memory_space<hbm>> -> memref<10000x16xf32, #tpu.memory_space<hbm>>
        tpu.enqueue_indirect_dma source(%dma_start3A_158 : memref<10000x16xf32, #tpu.memory_space<hbm>>) target(%arg11 : memref<128x16xf32, #tpu.memory_space<vmem>>) offsets(%dma_start3A_155 : memref<128xi32, #tpu.memory_space<vmem>>) semaphore(%arg16 : memref<!tpu.dma_semaphore, #tpu.memory_space<semaphore_mem>>)
      } else {
      }
      %dma_wait3A_132 = arith.constant 0 : i32
      %dma_wait3A_133 = arith.constant 0 : i32
      %dma_wait3A_134 = tpu.memref_slice %arg7[%dma_wait3A_132, %dma_wait3A_133] : memref<152x128xi32, #tpu.memory_space<vmem>> -> memref<1x128xi32, #tpu.memory_space<vmem>>
      %dma_wait3A_135 = tpu.memref_squeeze %dma_wait3A_134 : memref<1x128xi32, #tpu.memory_space<vmem>> -> memref<128xi32, #tpu.memory_space<vmem>>
      %dma_wait3A_136 = arith.constant 0 : i32
      %dma_wait3A_137 = arith.constant 0 : i32
      %dma_wait3A_138 = tpu.memref_slice %arg2[%dma_wait3A_136, %dma_wait3A_137] : memref<10000x16xf32, #tpu.memory_space<hbm>> -> memref<10000x16xf32, #tpu.memory_space<hbm>>
      tpu.wait_indirect_dma semaphore(%arg17 : memref<!tpu.dma_semaphore, #tpu.memory_space<semaphore_mem>>) src(%dma_wait3A_138 : memref<10000x16xf32, #tpu.memory_space<hbm>>) dst(%arg12 : memref<128x16xf32, #tpu.memory_space<vmem>>)
      %add3A_139 = arith.constant 3 : i32
      %add3A_140 = arith.addi %mul3A_82, %add3A_139 : i32
      "tpu.region"() ({
        %run_scoped3A = tpu.sem_alloc : memref<!tpu.dma_semaphore, #tpu.memory_space<semaphore_mem>>
        %dma_start3A_149 = arith.constant 0 : i32
        %dma_start3A_150 = tpu.memref_slice %arg8[%add3A_140, %dma_start3A_149] : memref<152x128xi32, #tpu.memory_space<vmem>> -> memref<1x128xi32, #tpu.memory_space<vmem>>
        %dma_start3A_151 = tpu.memref_squeeze %dma_start3A_150 : memref<1x128xi32, #tpu.memory_space<vmem>> -> memref<128xi32, #tpu.memory_space<vmem>>
        %dma_start3A_152 = arith.constant 0 : i32
        %dma_start3A_153 = arith.constant 0 : i32
        %dma_start3A_154 = tpu.memref_slice %arg13[%dma_start3A_152, %dma_start3A_153] : memref<10112x16xf32, #tpu.memory_space<vmem_shared>> -> memref<10112x16xf32, #tpu.memory_space<vmem_shared>>
        tpu.enqueue_indirect_dma source(%arg12 : memref<128x16xf32, #tpu.memory_space<vmem>>) target(%dma_start3A_154 : memref<10112x16xf32, #tpu.memory_space<vmem_shared>>) offsets(%dma_start3A_151 : memref<128xi32, #tpu.memory_space<vmem>>) semaphore(%run_scoped3A : memref<!tpu.dma_semaphore, #tpu.memory_space<semaphore_mem>>) {add = true}
        %dma_wait3A_155 = arith.constant 0 : i32
        %dma_wait3A_156 = tpu.memref_slice %arg8[%add3A_140, %dma_wait3A_155] : memref<152x128xi32, #tpu.memory_space<vmem>> -> memref<1x128xi32, #tpu.memory_space<vmem>>
        %dma_wait3A_157 = tpu.memref_squeeze %dma_wait3A_156 : memref<1x128xi32, #tpu.memory_space<vmem>> -> memref<128xi32, #tpu.memory_space<vmem>>
        %dma_wait3A_158 = arith.constant 0 : i32
        %dma_wait3A_159 = arith.constant 0 : i32
        %dma_wait3A_160 = tpu.memref_slice %arg13[%dma_wait3A_158, %dma_wait3A_159] : memref<10112x16xf32, #tpu.memory_space<vmem_shared>> -> memref<10112x16xf32, #tpu.memory_space<vmem_shared>>
        tpu.wait_indirect_dma semaphore(%run_scoped3A : memref<!tpu.dma_semaphore, #tpu.memory_space<semaphore_mem>>) src(%arg12 : memref<128x16xf32, #tpu.memory_space<vmem>>) dst(%dma_wait3A_160 : memref<10112x16xf32, #tpu.memory_space<vmem_shared>>)
        tpu.yield
      }) : () -> ()
      %add3A_141 = arith.constant 4 : i32
      %add3A_142 = arith.addi %mul3A_82, %add3A_141 : i32
      %add3A_143 = arith.constant 3 : i32
      %add3A_144 = arith.addi %add3A_142, %add3A_143 : i32
      %lt3A_145 = arith.cmpi slt, %add3A_144, %select_n3A_5 : i32
      %convert_element_type3A_146 = arith.extui %lt3A_145 : i1 to i32
      %cond3A_147 = arith.constant 0 : i32
      %cond3A_148 = arith.cmpi ne, %convert_element_type3A_146, %cond3A_147 : i32
      scf.if %cond3A_148 {
        %add3A_149 = arith.constant 4 : i32
        %add3A_150 = arith.addi %mul3A_82, %add3A_149 : i32
        %add3A_151 = arith.constant 3 : i32
        %add3A_152 = arith.addi %add3A_150, %add3A_151 : i32
        %dma_start3A_153 = arith.constant 0 : i32
        %dma_start3A_154 = tpu.memref_slice %arg7[%add3A_152, %dma_start3A_153] : memref<152x128xi32, #tpu.memory_space<vmem>> -> memref<1x128xi32, #tpu.memory_space<vmem>>
        %dma_start3A_155 = tpu.memref_squeeze %dma_start3A_154 : memref<1x128xi32, #tpu.memory_space<vmem>> -> memref<128xi32, #tpu.memory_space<vmem>>
        %dma_start3A_156 = arith.constant 0 : i32
        %dma_start3A_157 = arith.constant 0 : i32
        %dma_start3A_158 = tpu.memref_slice %arg2[%dma_start3A_156, %dma_start3A_157] : memref<10000x16xf32, #tpu.memory_space<hbm>> -> memref<10000x16xf32, #tpu.memory_space<hbm>>
        tpu.enqueue_indirect_dma source(%dma_start3A_158 : memref<10000x16xf32, #tpu.memory_space<hbm>>) target(%arg12 : memref<128x16xf32, #tpu.memory_space<vmem>>) offsets(%dma_start3A_155 : memref<128xi32, #tpu.memory_space<vmem>>) semaphore(%arg17 : memref<!tpu.dma_semaphore, #tpu.memory_space<semaphore_mem>>)
      } else {
      }
    }
    %barrier3A_75 = arith.constant 0 : index
    tpu.barrier barrier_id(%barrier3A_75)
    %mul3A_76 = arith.constant 632 : i32
    %mul3A_77 = arith.muli %arg1, %mul3A_76 : i32
    %mul3A_78 = arith.constant 632 : i32
    %mul3A_79 = arith.muli %arg1, %mul3A_78 : i32
    "tpu.region"() ({
      %run_scoped3A = tpu.sem_alloc : memref<!tpu.dma_semaphore, #tpu.memory_space<semaphore_mem>>
      %dma_start3A_80 = arith.constant 0 : i32
      %dma_start3A_81 = tpu.memref_slice %arg6[%arg0, %mul3A_79, %dma_start3A_80] : memref<2x10112x16xf32, #tpu.memory_space<hbm>> -> memref<1x632x16xf32, #tpu.memory_space<hbm>>
      %dma_start3A_82 = tpu.memref_squeeze %dma_start3A_81 : memref<1x632x16xf32, #tpu.memory_space<hbm>> -> memref<632x16xf32, #tpu.memory_space<hbm>>
      %dma_start3A_83 = arith.constant 0 : i32
      %dma_start3A_84 = tpu.memref_slice %arg13[%mul3A_77, %dma_start3A_83] : memref<10112x16xf32, #tpu.memory_space<vmem_shared>> -> memref<632x16xf32, #tpu.memory_space<vmem_shared>>
      tpu.enqueue_dma source(%dma_start3A_84 : memref<632x16xf32, #tpu.memory_space<vmem_shared>>) target(%dma_start3A_82 : memref<632x16xf32, #tpu.memory_space<hbm>>) target_semaphore(%run_scoped3A : memref<!tpu.dma_semaphore, #tpu.memory_space<semaphore_mem>>)
      %dma_wait3A = arith.constant 0 : i32
      %dma_wait3A_85 = tpu.memref_slice %arg6[%arg0, %mul3A_79, %dma_wait3A] : memref<2x10112x16xf32, #tpu.memory_space<hbm>> -> memref<1x632x16xf32, #tpu.memory_space<hbm>>
      %dma_wait3A_86 = tpu.memref_squeeze %dma_wait3A_85 : memref<1x632x16xf32, #tpu.memory_space<hbm>> -> memref<632x16xf32, #tpu.memory_space<hbm>>
      %dma_wait3A_87 = arith.constant 0 : i32
      %dma_wait3A_88 = tpu.memref_slice %arg13[%mul3A_77, %dma_wait3A_87] : memref<10112x16xf32, #tpu.memory_space<vmem_shared>> -> memref<632x16xf32, #tpu.memory_space<vmem_shared>>
      tpu.wait_dma2 semaphore(%run_scoped3A : memref<!tpu.dma_semaphore, #tpu.memory_space<semaphore_mem>>) src(%dma_wait3A_88 : memref<632x16xf32, #tpu.memory_space<vmem_shared>>) dst(%dma_wait3A_86 : memref<632x16xf32, #tpu.memory_space<hbm>>)
      tpu.yield
    }) : () -> ()
    return
  }
}

module attributes {stable_mosaic.version = 14 : i64} {
  func.func @_table1_body(%arg0: memref<10000x128xf32, #tpu.memory_space<vmem>>, %arg1: memref<256x20xf32, #tpu.memory_space<vmem>>, %arg2: memref<10000x24xf32, #tpu.memory_space<vmem>>) attributes {dimension_semantics = [], scalar_prefetch = 0 : i64, scratch_operands = 0 : i64, tpu.core_type = #tpu.core_type<tc>} {
    %get3A = arith.constant 0 : index
    %get3A_0 = arith.constant 0 : index
    %get3A_1 = vector.load %arg0[%get3A, %get3A_0] : memref<10000x128xf32, #tpu.memory_space<vmem>>, vector<10000x128xf32>
    %get3A_2 = arith.constant 128 : index
    %get3A_3 = arith.constant 0 : index
    %get3A_4 = vector.load %arg1[%get3A_2, %get3A_3] : memref<256x20xf32, #tpu.memory_space<vmem>>, vector<128x20xf32>
    %dot_general3A = arith.constant dense<0.000000e+00> : vector<10000x20xf32>
    %dot_general3A_5 = tpu.matmul %get3A_1, %get3A_4, %dot_general3A {dimension_numbers = #tpu.dot_dimension_numbers<[1], [0], [0], [1], [0, 0, 1, 1], [], []>, precision = #tpu.contract_precision<fp32>, transpose_lhs_hint = false} : vector<10000x128xf32>, vector<128x20xf32>, vector<10000x20xf32> -> vector<10000x20xf32>
    %broadcast_in_dim3A = arith.constant 1.000000e+00 : f32
    %broadcast_in_dim3A_6 = vector.broadcast %broadcast_in_dim3A : f32 to vector<10000x1xf32>
    %broadcast_in_dim3A_7 = arith.constant 0.000000e+00 : f32
    %broadcast_in_dim3A_8 = vector.broadcast %broadcast_in_dim3A_7 : f32 to vector<10000x3xf32>
    %concatenate3A = tpu.concatenate %dot_general3A_5, %broadcast_in_dim3A_6, %broadcast_in_dim3A_8 in 1 : vector<10000x20xf32>, vector<10000x1xf32>, vector<10000x3xf32> -> vector<10000x24xf32>
    %swap3A = arith.constant 0 : index
    %swap3A_9 = arith.constant 0 : index
    %swap3A_10 = vector.load %arg2[%swap3A, %swap3A_9] : memref<10000x24xf32, #tpu.memory_space<vmem>>, vector<10000x24xf32>
    tpu.vector_store %arg2[%swap3A, %swap3A_9], %concatenate3A {strides = array<i32>} : memref<10000x24xf32, #tpu.memory_space<vmem>>, vector<10000x24xf32>,
    return
  }
}

module attributes {stable_mosaic.version = 14 : i64} {
  func.func @_mid1_body(%arg0: i32, %arg1: memref<2x2000x24xf32, #tpu.memory_space<vmem>>, %arg2: memref<2000x128xf32, #tpu.memory_space<vmem>>, %arg3: memref<256x20xf32, #tpu.memory_space<vmem>>, %arg4: memref<1x20xf32, #tpu.memory_space<vmem>>, %arg5: memref<2000x20xf32, #tpu.memory_space<vmem>>, %arg6: memref<2x20xf32, #tpu.memory_space<vmem>>, %arg7: memref<2x20xf32, #tpu.memory_space<vmem>>) attributes {dimension_semantics = [#tpu.dimension_semantics<arbitrary>], iteration_bounds = array<i64: 5>, scalar_prefetch = 0 : i64, scratch_operands = 1 : i64, tpu.core_type = #tpu.core_type<tc>, window_params = [{transform_indices = @transform_0, window_bounds = array<i64: 2, 2000, 24>}, {transform_indices = @transform_1, window_bounds = array<i64: 2000, 128>}, {pipeline_mode = #tpu.pipeline_mode<synchronous>, transform_indices = @transform_2, window_bounds = array<i64: 256, 20>}, {pipeline_mode = #tpu.pipeline_mode<synchronous>, transform_indices = @transform_3, window_bounds = array<i64: 1, 20>}, {transform_indices = @transform_4, window_bounds = array<i64: 2000, 20>}, {pipeline_mode = #tpu.pipeline_mode<synchronous>, transform_indices = @transform_5, window_bounds = array<i64: 2, 20>}]} {
    %eq3A = arith.constant 0 : i32
    %eq3A_0 = arith.cmpi eq, %arg0, %eq3A : i32
    %convert_element_type3A = arith.extui %eq3A_0 : i1 to i32
    %cond3A = arith.constant 0 : i32
    %cond3A_1 = arith.cmpi ne, %convert_element_type3A, %cond3A : i32
    scf.if %cond3A_1 {
      %broadcast_in_dim3A_49 = arith.constant 0.000000e+00 : f32
      %broadcast_in_dim3A_50 = vector.broadcast %broadcast_in_dim3A_49 : f32 to vector<2x20xf32>
      %swap3A_51 = arith.constant 0 : index
      %swap3A_52 = arith.constant 0 : index
      %swap3A_53 = vector.load %arg7[%swap3A_51, %swap3A_52] : memref<2x20xf32, #tpu.memory_space<vmem>>, vector<2x20xf32>
      tpu.vector_store %arg7[%swap3A_51, %swap3A_52], %broadcast_in_dim3A_50 {strides = array<i32>} : memref<2x20xf32, #tpu.memory_space<vmem>>, vector<2x20xf32>,
    } else {
    }
    %get3A = arith.constant 0 : index
    %get3A_2 = arith.constant 0 : index
    %get3A_3 = arith.constant 0 : index
    %get3A_4 = vector.load %arg1[%get3A, %get3A_2, %get3A_3] : memref<2x2000x24xf32, #tpu.memory_space<vmem>>, vector<1x2000x24xf32>
    %get3A_5 = vector.shape_cast %get3A_4 : vector<1x2000x24xf32> to vector<2000x24xf32>
    %get3A_6 = arith.constant 1 : index
    %get3A_7 = arith.constant 0 : index
    %get3A_8 = arith.constant 0 : index
    %get3A_9 = vector.load %arg1[%get3A_6, %get3A_7, %get3A_8] : memref<2x2000x24xf32, #tpu.memory_space<vmem>>, vector<1x2000x24xf32>
    %get3A_10 = vector.shape_cast %get3A_9 : vector<1x2000x24xf32> to vector<2000x24xf32>
    %add3A = arith.addf %get3A_5, %get3A_10 : vector<2000x24xf32>
    %slice3A = vector.extract_strided_slice %add3A {offsets = [0, 0], sizes = [2000, 20], strides = [1, 1]} : vector<2000x24xf32> to vector<2000x20xf32>
    %slice3A_11 = vector.extract_strided_slice %add3A {offsets = [0, 20], sizes = [2000, 1], strides = [1, 1]} : vector<2000x24xf32> to vector<2000x1xf32>
    %get3A_12 = arith.constant 0 : index
    %get3A_13 = arith.constant 0 : index
    %get3A_14 = vector.load %arg3[%get3A_12, %get3A_13] : memref<256x20xf32, #tpu.memory_space<vmem>>, vector<128x20xf32>
    %get3A_15 = arith.constant 128 : index
    %get3A_16 = arith.constant 0 : index
    %get3A_17 = vector.load %arg3[%get3A_15, %get3A_16] : memref<256x20xf32, #tpu.memory_space<vmem>>, vector<128x20xf32>
    %sub3A = arith.subf %get3A_14, %get3A_17 : vector<128x20xf32>
    %get3A_18 = arith.constant 0 : index
    %get3A_19 = arith.constant 0 : index
    %get3A_20 = vector.load %arg2[%get3A_18, %get3A_19] : memref<2000x128xf32, #tpu.memory_space<vmem>>, vector<2000x128xf32>
    %dot_general3A = arith.constant dense<0.000000e+00> : vector<2000x20xf32>
    %dot_general3A_21 = tpu.matmul %get3A_20, %sub3A, %dot_general3A {dimension_numbers = #tpu.dot_dimension_numbers<[1], [0], [0], [1], [0, 0, 1, 1], [], []>, precision = #tpu.contract_precision<fp32>, transpose_lhs_hint = false} : vector<2000x128xf32>, vector<128x20xf32>, vector<2000x20xf32> -> vector<2000x20xf32>
    %get3A_22 = arith.constant 0 : index
    %get3A_23 = arith.constant 0 : index
    %get3A_24 = vector.load %arg4[%get3A_22, %get3A_23] : memref<1x20xf32, #tpu.memory_space<vmem>>, vector<1x20xf32>
    %add3A_25 = vector.broadcast %get3A_24 : vector<1x20xf32> to vector<2000x20xf32>
    %add3A_26 = arith.addf %dot_general3A_21, %add3A_25 : vector<2000x20xf32>
    %mul3A = vector.broadcast %slice3A_11 : vector<2000x1xf32> to vector<2000x20xf32>
    %mul3A_27 = arith.mulf %mul3A, %add3A_26 : vector<2000x20xf32>
    %add3A_28 = arith.addf %mul3A_27, %slice3A : vector<2000x20xf32>
    %swap3A = arith.constant 0 : index
    %swap3A_29 = arith.constant 0 : index
    %swap3A_30 = vector.load %arg5[%swap3A, %swap3A_29] : memref<2000x20xf32, #tpu.memory_space<vmem>>, vector<2000x20xf32>
    tpu.vector_store %arg5[%swap3A, %swap3A_29], %add3A_28 {strides = array<i32>} : memref<2000x20xf32, #tpu.memory_space<vmem>>, vector<2000x20xf32>,
    %get3A_31 = arith.constant 0 : index
    %get3A_32 = arith.constant 0 : index
    %get3A_33 = vector.load %arg7[%get3A_31, %get3A_32] : memref<2x20xf32, #tpu.memory_space<vmem>>, vector<2x20xf32>
    %reduce_sum3A = arith.constant dense<0.000000e+00> : vector<20xf32>
    %reduce_sum3A_34 = vector.multi_reduction <add>, %add3A_28, %reduce_sum3A [0] : vector<2000x20xf32> to vector<20xf32>
    %broadcast_in_dim3A = vector.shape_cast %reduce_sum3A_34 : vector<20xf32> to vector<1x20xf32>
    %mul3A_35 = arith.mulf %add3A_28, %add3A_28 : vector<2000x20xf32>
    %reduce_sum3A_36 = arith.constant dense<0.000000e+00> : vector<20xf32>
    %reduce_sum3A_37 = vector.multi_reduction <add>, %mul3A_35, %reduce_sum3A_36 [0] : vector<2000x20xf32> to vector<20xf32>
    %broadcast_in_dim3A_38 = vector.shape_cast %reduce_sum3A_37 : vector<20xf32> to vector<1x20xf32>
    %concatenate3A = tpu.concatenate %broadcast_in_dim3A, %broadcast_in_dim3A_38 in 0 : vector<1x20xf32>, vector<1x20xf32> -> vector<2x20xf32>
    %add3A_39 = arith.addf %get3A_33, %concatenate3A : vector<2x20xf32>
    %swap3A_40 = arith.constant 0 : index
    %swap3A_41 = arith.constant 0 : index
    %swap3A_42 = vector.load %arg7[%swap3A_40, %swap3A_41] : memref<2x20xf32, #tpu.memory_space<vmem>>, vector<2x20xf32>
    tpu.vector_store %arg7[%swap3A_40, %swap3A_41], %add3A_39 {strides = array<i32>} : memref<2x20xf32, #tpu.memory_space<vmem>>, vector<2x20xf32>,
    %get3A_43 = arith.constant 0 : index
    %get3A_44 = arith.constant 0 : index
    %get3A_45 = vector.load %arg7[%get3A_43, %get3A_44] : memref<2x20xf32, #tpu.memory_space<vmem>>, vector<2x20xf32>
    %swap3A_46 = arith.constant 0 : index
    %swap3A_47 = arith.constant 0 : index
    %swap3A_48 = vector.load %arg6[%swap3A_46, %swap3A_47] : memref<2x20xf32, #tpu.memory_space<vmem>>, vector<2x20xf32>
    tpu.vector_store %arg6[%swap3A_46, %swap3A_47], %get3A_45 {strides = array<i32>} : memref<2x20xf32, #tpu.memory_space<vmem>>, vector<2x20xf32>,
    return
  }
  func.func @transform_0(%arg0: i32) -> (i32, i32, i32) {
    %c0_i32 = arith.constant 0 : i32
    %c0_i32_0 = arith.constant 0 : i32
    %c0_i32_1 = arith.constant 0 : i32
    return %c0_i32, %arg0, %c0_i32_0 : i32, i32, i32
  }
  func.func @transform_1(%arg0: i32) -> (i32, i32) {
    %c0_i32 = arith.constant 0 : i32
    %c0_i32_0 = arith.constant 0 : i32
    return %arg0, %c0_i32 : i32, i32
  }
  func.func @transform_2(%arg0: i32) -> (i32, i32) {
    %c0_i32 = arith.constant 0 : i32
    %c0_i32_0 = arith.constant 0 : i32
    %c0_i32_1 = arith.constant 0 : i32
    return %c0_i32, %c0_i32_0 : i32, i32
  }
  func.func @transform_3(%arg0: i32) -> (i32, i32) {
    %c0_i32 = arith.constant 0 : i32
    %c0_i32_0 = arith.constant 0 : i32
    %c0_i32_1 = arith.constant 0 : i32
    return %c0_i32, %c0_i32_0 : i32, i32
  }
  func.func @transform_4(%arg0: i32) -> (i32, i32) {
    %c0_i32 = arith.constant 0 : i32
    %c0_i32_0 = arith.constant 0 : i32
    return %arg0, %c0_i32 : i32, i32
  }
  func.func @transform_5(%arg0: i32) -> (i32, i32) {
    %c0_i32 = arith.constant 0 : i32
    %c0_i32_0 = arith.constant 0 : i32
    %c0_i32_1 = arith.constant 0 : i32
    return %c0_i32, %c0_i32_0 : i32, i32
  }
}

module attributes {stable_mosaic.version = 14 : i64} {
  func.func @_mid2_body(%arg0: i32, %arg1: memref<2000x20xf32, #tpu.memory_space<vmem>>, %arg2: memref<2x20xf32, #tpu.memory_space<vmem>>, %arg3: memref<2x2000x24xf32, #tpu.memory_space<vmem>>, %arg4: memref<1x20xf32, #tpu.memory_space<vmem>>, %arg5: memref<1x20xf32, #tpu.memory_space<vmem>>, %arg6: memref<40x16xf32, #tpu.memory_space<vmem>>, %arg7: memref<1x16xf32, #tpu.memory_space<vmem>>, %arg8: memref<2000x16xf32, #tpu.memory_space<vmem>>, %arg9: memref<2000x16xf32, #tpu.memory_space<vmem>>) attributes {dimension_semantics = [#tpu.dimension_semantics<arbitrary>], iteration_bounds = array<i64: 5>, scalar_prefetch = 0 : i64, scratch_operands = 0 : i64, tpu.core_type = #tpu.core_type<tc>, window_params = [{transform_indices = @transform_0, window_bounds = array<i64: 2000, 20>}, {pipeline_mode = #tpu.pipeline_mode<synchronous>, transform_indices = @transform_1, window_bounds = array<i64: 2, 20>}, {transform_indices = @transform_2, window_bounds = array<i64: 2, 2000, 24>}, {pipeline_mode = #tpu.pipeline_mode<synchronous>, transform_indices = @transform_3, window_bounds = array<i64: 1, 20>}, {pipeline_mode = #tpu.pipeline_mode<synchronous>, transform_indices = @transform_4, window_bounds = array<i64: 1, 20>}, {pipeline_mode = #tpu.pipeline_mode<synchronous>, transform_indices = @transform_5, window_bounds = array<i64: 40, 16>}, {pipeline_mode = #tpu.pipeline_mode<synchronous>, transform_indices = @transform_6, window_bounds = array<i64: 1, 16>}, {transform_indices = @transform_7, window_bounds = array<i64: 2000, 16>}, {transform_indices = @transform_8, window_bounds = array<i64: 2000, 16>}]} {
    %get3A = arith.constant 0 : index
    %get3A_0 = arith.constant 0 : index
    %get3A_1 = vector.load %arg1[%get3A, %get3A_0] : memref<2000x20xf32, #tpu.memory_space<vmem>>, vector<2000x20xf32>
    %get3A_2 = arith.constant 0 : index
    %get3A_3 = arith.constant 0 : index
    %get3A_4 = arith.constant 20 : index
    %get3A_5 = vector.load %arg3[%get3A_2, %get3A_3, %get3A_4] : memref<2x2000x24xf32, #tpu.memory_space<vmem>>, vector<1x2000x1xf32>
    %get3A_6 = vector.shape_cast %get3A_5 : vector<1x2000x1xf32> to vector<2000x1xf32>
    %get3A_7 = arith.constant 1 : index
    %get3A_8 = arith.constant 0 : index
    %get3A_9 = arith.constant 20 : index
    %get3A_10 = vector.load %arg3[%get3A_7, %get3A_8, %get3A_9] : memref<2x2000x24xf32, #tpu.memory_space<vmem>>, vector<1x2000x1xf32>
    %get3A_11 = vector.shape_cast %get3A_10 : vector<1x2000x1xf32> to vector<2000x1xf32>
    %add3A = arith.addf %get3A_6, %get3A_11 : vector<2000x1xf32>
    %get3A_12 = arith.constant 0 : index
    %get3A_13 = arith.constant 0 : index
    %get3A_14 = vector.load %arg2[%get3A_12, %get3A_13] : memref<2x20xf32, #tpu.memory_space<vmem>>, vector<1x20xf32>
    %mul3A = arith.constant 9.99999974E-5 : f32
    %mul3A_15 = vector.broadcast %mul3A : f32 to vector<1x20xf32>
    %mul3A_16 = arith.mulf %get3A_14, %mul3A_15 : vector<1x20xf32>
    %get3A_17 = arith.constant 1 : index
    %get3A_18 = arith.constant 0 : index
    %get3A_19 = vector.load %arg2[%get3A_17, %get3A_18] : memref<2x20xf32, #tpu.memory_space<vmem>>, vector<1x20xf32>
    %mul3A_20 = arith.constant 9.99999974E-5 : f32
    %mul3A_21 = vector.broadcast %mul3A_20 : f32 to vector<1x20xf32>
    %mul3A_22 = arith.mulf %get3A_19, %mul3A_21 : vector<1x20xf32>
    %mul3A_23 = arith.mulf %mul3A_16, %mul3A_16 : vector<1x20xf32>
    %sub3A = arith.subf %mul3A_22, %mul3A_23 : vector<1x20xf32>
    %sub3A_24 = vector.broadcast %mul3A_16 : vector<1x20xf32> to vector<2000x20xf32>
    %sub3A_25 = arith.subf %get3A_1, %sub3A_24 : vector<2000x20xf32>
    %add3A_26 = arith.constant 9.99999974E-6 : f32
    %add3A_27 = vector.broadcast %add3A_26 : f32 to vector<1x20xf32>
    %add3A_28 = arith.addf %sub3A, %add3A_27 : vector<1x20xf32>
    %rsqrt3A = math.rsqrt %add3A_28 : vector<1x20xf32>
    %mul3A_29 = vector.broadcast %rsqrt3A : vector<1x20xf32> to vector<2000x20xf32>
    %mul3A_30 = arith.mulf %sub3A_25, %mul3A_29 : vector<2000x20xf32>
    %get3A_31 = arith.constant 0 : index
    %get3A_32 = arith.constant 0 : index
    %get3A_33 = vector.load %arg4[%get3A_31, %get3A_32] : memref<1x20xf32, #tpu.memory_space<vmem>>, vector<1x20xf32>
    %mul3A_34 = vector.broadcast %get3A_33 : vector<1x20xf32> to vector<2000x20xf32>
    %mul3A_35 = arith.mulf %mul3A_30, %mul3A_34 : vector<2000x20xf32>
    %get3A_36 = arith.constant 0 : index
    %get3A_37 = arith.constant 0 : index
    %get3A_38 = vector.load %arg5[%get3A_36, %get3A_37] : memref<1x20xf32, #tpu.memory_space<vmem>>, vector<1x20xf32>
    %add3A_39 = vector.broadcast %get3A_38 : vector<1x20xf32> to vector<2000x20xf32>
    %add3A_40 = arith.addf %mul3A_35, %add3A_39 : vector<2000x20xf32>
    %max3A = arith.constant 0.000000e+00 : f32
    %max3A_41 = vector.broadcast %max3A : f32 to vector<2000x20xf32>
    %max3A_42 = arith.maximumf %add3A_40, %max3A_41 : vector<2000x20xf32>
    %get3A_43 = arith.constant 20 : index
    %get3A_44 = arith.constant 0 : index
    %get3A_45 = vector.load %arg6[%get3A_43, %get3A_44] : memref<40x16xf32, #tpu.memory_space<vmem>>, vector<20x16xf32>
    %dot_general3A = arith.constant dense<0.000000e+00> : vector<2000x16xf32>
    %dot_general3A_46 = tpu.matmul %max3A_42, %get3A_45, %dot_general3A {dimension_numbers = #tpu.dot_dimension_numbers<[1], [0], [0], [1], [0, 0, 1, 1], [], []>, precision = #tpu.contract_precision<fp32>, transpose_lhs_hint = false} : vector<2000x20xf32>, vector<20x16xf32>, vector<2000x16xf32> -> vector<2000x16xf32>
    %swap3A = arith.constant 0 : index
    %swap3A_47 = arith.constant 0 : index
    %swap3A_48 = vector.load %arg8[%swap3A, %swap3A_47] : memref<2000x16xf32, #tpu.memory_space<vmem>>, vector<2000x16xf32>
    tpu.vector_store %arg8[%swap3A, %swap3A_47], %dot_general3A_46 {strides = array<i32>} : memref<2000x16xf32, #tpu.memory_space<vmem>>, vector<2000x16xf32>,
    %get3A_49 = arith.constant 0 : index
    %get3A_50 = arith.constant 0 : index
    %get3A_51 = vector.load %arg6[%get3A_49, %get3A_50] : memref<40x16xf32, #tpu.memory_space<vmem>>, vector<20x16xf32>
    %sub3A_52 = arith.subf %get3A_51, %get3A_45 : vector<20x16xf32>
    %dot_general3A_53 = arith.constant dense<0.000000e+00> : vector<2000x16xf32>
    %dot_general3A_54 = tpu.matmul %max3A_42, %sub3A_52, %dot_general3A_53 {dimension_numbers = #tpu.dot_dimension_numbers<[1], [0], [0], [1], [0, 0, 1, 1], [], []>, precision = #tpu.contract_precision<fp32>, transpose_lhs_hint = false} : vector<2000x20xf32>, vector<20x16xf32>, vector<2000x16xf32> -> vector<2000x16xf32>
    %get3A_55 = arith.constant 0 : index
    %get3A_56 = arith.constant 0 : index
    %get3A_57 = vector.load %arg7[%get3A_55, %get3A_56] : memref<1x16xf32, #tpu.memory_space<vmem>>, vector<1x16xf32>
    %add3A_58 = vector.broadcast %get3A_57 : vector<1x16xf32> to vector<2000x16xf32>
    %add3A_59 = arith.addf %dot_general3A_54, %add3A_58 : vector<2000x16xf32>
    %mul3A_60 = vector.broadcast %add3A : vector<2000x1xf32> to vector<2000x16xf32>
    %mul3A_61 = arith.mulf %mul3A_60, %add3A_59 : vector<2000x16xf32>
    %swap3A_62 = arith.constant 0 : index
    %swap3A_63 = arith.constant 0 : index
    %swap3A_64 = vector.load %arg9[%swap3A_62, %swap3A_63] : memref<2000x16xf32, #tpu.memory_space<vmem>>, vector<2000x16xf32>
    tpu.vector_store %arg9[%swap3A_62, %swap3A_63], %mul3A_61 {strides = array<i32>} : memref<2000x16xf32, #tpu.memory_space<vmem>>, vector<2000x16xf32>,
    return
  }
  func.func @transform_0(%arg0: i32) -> (i32, i32) {
    %c0_i32 = arith.constant 0 : i32
    %c0_i32_0 = arith.constant 0 : i32
    return %arg0, %c0_i32 : i32, i32
  }
  func.func @transform_1(%arg0: i32) -> (i32, i32) {
    %c0_i32 = arith.constant 0 : i32
    %c0_i32_0 = arith.constant 0 : i32
    %c0_i32_1 = arith.constant 0 : i32
    return %c0_i32, %c0_i32_0 : i32, i32
  }
  func.func @transform_2(%arg0: i32) -> (i32, i32, i32) {
    %c0_i32 = arith.constant 0 : i32
    %c0_i32_0 = arith.constant 0 : i32
    %c0_i32_1 = arith.constant 0 : i32
    return %c0_i32, %arg0, %c0_i32_0 : i32, i32, i32
  }
  func.func @transform_3(%arg0: i32) -> (i32, i32) {
    %c0_i32 = arith.constant 0 : i32
    %c0_i32_0 = arith.constant 0 : i32
    %c0_i32_1 = arith.constant 0 : i32
    return %c0_i32, %c0_i32_0 : i32, i32
  }
  func.func @transform_4(%arg0: i32) -> (i32, i32) {
    %c0_i32 = arith.constant 0 : i32
    %c0_i32_0 = arith.constant 0 : i32
    %c0_i32_1 = arith.constant 0 : i32
    return %c0_i32, %c0_i32_0 : i32, i32
  }
  func.func @transform_5(%arg0: i32) -> (i32, i32) {
    %c0_i32 = arith.constant 0 : i32
    %c0_i32_0 = arith.constant 0 : i32
    %c0_i32_1 = arith.constant 0 : i32
    return %c0_i32, %c0_i32_0 : i32, i32
  }
  func.func @transform_6(%arg0: i32) -> (i32, i32) {
    %c0_i32 = arith.constant 0 : i32
    %c0_i32_0 = arith.constant 0 : i32
    %c0_i32_1 = arith.constant 0 : i32
    return %c0_i32, %c0_i32_0 : i32, i32
  }
  func.func @transform_7(%arg0: i32) -> (i32, i32) {
    %c0_i32 = arith.constant 0 : i32
    %c0_i32_0 = arith.constant 0 : i32
    return %arg0, %c0_i32 : i32, i32
  }
  func.func @transform_8(%arg0: i32) -> (i32, i32) {
    %c0_i32 = arith.constant 0 : i32
    %c0_i32_0 = arith.constant 0 : i32
    return %arg0, %c0_i32 : i32, i32
  }
}

module attributes {stable_mosaic.version = 14 : i64} {
  func.func @_fin_body(%arg0: memref<10000x16xf32, #tpu.memory_space<vmem>>, %arg1: memref<2x10112x16xf32, #tpu.memory_space<vmem>>, %arg2: memref<10000x16xf32, #tpu.memory_space<vmem>>) attributes {dimension_semantics = [], scalar_prefetch = 0 : i64, scratch_operands = 0 : i64, tpu.core_type = #tpu.core_type<tc>} {
    %get3A = arith.constant 0 : index
    %get3A_0 = arith.constant 0 : index
    %get3A_1 = vector.load %arg0[%get3A, %get3A_0] : memref<10000x16xf32, #tpu.memory_space<vmem>>, vector<10000x16xf32>
    %get3A_2 = arith.constant 0 : index
    %get3A_3 = arith.constant 0 : index
    %get3A_4 = arith.constant 0 : index
    %get3A_5 = vector.load %arg1[%get3A_2, %get3A_3, %get3A_4] : memref<2x10112x16xf32, #tpu.memory_space<vmem>>, vector<1x10000x16xf32>
    %get3A_6 = vector.shape_cast %get3A_5 : vector<1x10000x16xf32> to vector<10000x16xf32>
    %add3A = arith.addf %get3A_1, %get3A_6 : vector<10000x16xf32>
    %get3A_7 = arith.constant 1 : index
    %get3A_8 = arith.constant 0 : index
    %get3A_9 = arith.constant 0 : index
    %get3A_10 = vector.load %arg1[%get3A_7, %get3A_8, %get3A_9] : memref<2x10112x16xf32, #tpu.memory_space<vmem>>, vector<1x10000x16xf32>
    %get3A_11 = vector.shape_cast %get3A_10 : vector<1x10000x16xf32> to vector<10000x16xf32>
    %add3A_12 = arith.addf %add3A, %get3A_11 : vector<10000x16xf32>
    %swap3A = arith.constant 0 : index
    %swap3A_13 = arith.constant 0 : index
    %swap3A_14 = vector.load %arg2[%swap3A, %swap3A_13] : memref<10000x16xf32, #tpu.memory_space<vmem>>, vector<10000x16xf32>
    tpu.vector_store %arg2[%swap3A, %swap3A_13], %add3A_12 {strides = array<i32>} : memref<10000x16xf32, #tpu.memory_space<vmem>>, vector<10000x16xf32>,
    return
  }
}

</mosaic_0001>

<sc_bundles>
// kernel: kernel.11.cloned.1.call-start
scs
__scs_entry_jumppad:
0x0: {  	(pc) =	sbr.rel $0x88, $3  }
0x1: {  	(tag) =	ssettag $0x0;
	lr =	simm.s32 $0x1  }
0x2: {  	[smem:$0x3F99] =	sst lr;
	_ =	strace $0xD0000000  }
0x3: {  	_ = 	snop  }
0x4: {  	_ = 	snop  }
0x5: {  	_ = 	snop  }
0x6: {  	_ = 	snop  }
0x7: {  	_ = 	snop  }
__scs_overlays_trampoline_lowered:
0x8: {  	[smem:$0x3FA8] =	sst s0  }
0x9: {  	[smem:$0x3FA9] =	sst s1  }
0xa: {  	[smem:$0x3FAA] =	sst s2  }
0xb: {  	[smem:$0x3FAB] =	sst s3  }
0xc: {  	[smem:$0x3FAC] =	sst s4  }
0xd: {  	[smem:$0x3FAD] =	sst s5  }
0xe: {  	[smem:$0x3FAE] =	sst s6  }
0xf: {  	[smem:$0x3FAF] =	sst s7  }
0x10: {  	[smem:$0x3FB0] =	sst s8  }
0x11: {  	[smem:$0x3FB1] =	sst s9;
	s0 =	simm.s32 @!p0 $0x0  }
0x12: {  	s1 =	sld [smem:$0x3F97];
	s0 =	simm.s32 @p0 $0x1  }
0x13: {  	[smem:$0x3FB2] =	sst s0;
	s0 =	simm.s32 @!p1 $0x0  }
0x14: {  	s2 =	sld [smem:$0x3F96];
	s0 =	simm.s32 @p1 $0x1  }
0x15: {  	[smem:$0x3FB3] =	sst s0;
	s0 =	simm.s32 @!p2 $0x0  }
0x16: {  	s3 =	sld [smem:$0x3FDB];
	s0 =	simm.s32 @p2 $0x1  }
0x17: {  	s4 =	simm.s32 $0x1BF5;
	[smem:$0x3FB5] =	sst s0  }
0x18: {  	s0 =	sld [smem:$0x3F98];
	_ =	swait.ge [sflag:s4], $0x0  }
0x19: {  	s7 =	sld [smem:$0x3F99]  }
0x1a: {  	s8 =	sadd.s32 $0xFFFFE003, lr  }
0x1b: {  	s9 =	sadd.s32 $0xFFFFFEF7, lr;
	s5 =	simm.s32 $0xFFFFFFFF;
	p2 =	slt.u32 s8, $0xFFFFF086  }
0x1c: {  	p1 =	slt.u32 s9, $0xF7A;
	s5 =	simm.s32 @!p2 $0x0  }
0x1d: {  	s5 =	simm.s32 @p1 $0x1;
	p0 =	seq.s32 s7, s2  }
0x1e: {  	s7 =	smul.u32 @!p0 $0xF7A, s2;
	p2 =	seq.s32 @!p0 s5, $0x0  }
0x1f: {  	s9 =	smul.u32 $0xF7A, s1;
	s8 =	simm.s32 @!p0 $0x1BF5;
	p2 =	por !p2, p0  }
0x20: {  	[sflag:s8] =	ssyncset.s32 @!p0 $0xFFFFF086;
	s6 =	sadd.s32 @!p0 s3, s7;
	s7 =	simm.s32 @!p0 $0x108  }
0x21: {  	s3 =	sadd.s32 s3, s9;
	s6 =	sadd.s32 @!p0 $0x88, s6;
	s7 =	simm.s32 @p2 $0x1082  }
0x22: {  	[simem:s7], [sflag:s8] =	dma.local @!p0 [hbm:s6], $0xF7A  }
0x23: {  	s9 =	sor.u32 $0xD0000000, s2;
	s6 =	simm.s32 $0x108;
	_ =	swait.ge @!p0 [sflag:s8], $0x0  }
0x24: {  	s3 =	sadd.s32 $0x88, s3;
	s6 =	simm.s32 @!p1 $0x1082;
	[sflag:s4] =	ssyncset.s32 $0xFFFFF086  }
0x25: {  	[simem:s6], [sflag:s4] =	dma.local [hbm:s3], $0xF7A  }
0x26: {  	[smem:$0x3F99] =	sst s1;
	(tag) =	ssettag s2;
	_ =	strace s9  }
0x27: {  	s1 =	sld [smem:$0x3FA9]  }
0x28: {  	s2 =	sld [smem:$0x3FAA]  }
0x29: {  	s4 =	sld [smem:$0x3FAC]  }
0x2a: {  	p0 =	seq.s32 s5, $0x0;
	s5 =	sld [smem:$0x3FAD]  }
0x2b: {  	s6 =	sld [smem:$0x3FAE]  }
0x2c: {  	s7 =	sld [smem:$0x3FAF]  }
0x2d: {  	s3 =	simm.s32 $0x108;
	s8 =	sld [smem:$0x3FB0]  }
0x2e: {  	s3 =	simm.s32 @!p0 $0x1082;
	s9 =	sld [smem:$0x3FB1]  }
0x2f: {  	lr =	sadd.s32 s0, s3;
	s0 =	sld [smem:$0x3FA8]  }
0x30: {  	s3 =	sld [smem:$0x3FAB]  }
0x31: {  	[smem:$0x3FB4] =	sst s10  }
0x32: {  	s10 =	sld [smem:$0x3FB2];
	_ =	sdelay $0x3  }
0x33: {  	p0 =	seq.s32 s10, $0x1;
	s10 =	sld [smem:$0x3FB4];
	_ =	sdelay $0x3  }
0x34: {  	[smem:$0x3FB4] =	sst s10  }
0x35: {  	s10 =	sld [smem:$0x3FB3];
	_ =	sdelay $0x3  }
0x36: {  	p1 =	seq.s32 s10, $0x1;
	s10 =	sld [smem:$0x3FB4];
	_ =	sdelay $0x3  }
0x37: {  	[smem:$0x3FB4] =	sst s10  }
0x38: {  	s10 =	sld [smem:$0x3FB5]  }
0x39: {  	_ = 	snop;
	(pc) =	sbr.ind lr, $3  }
0x3a: {  	_ = 	snop  }
0x3b: {  	_ = 	snop  }
0x3c: {  	p2 =	seq.s32 s10, $0x1;
	s10 =	sld [smem:$0x3FB4]  }
0x3d: {  	_ =	shalt  }
0x3e: {  	_ =	shalt  }
0x3f: {  	_ =	shalt  }
0x40: {  	_ =	shalt  }
0x41: {  	_ =	shalt  }
0x42: {  	_ =	shalt  }
0x43: {  	_ =	shalt  }
0x44: {  	_ =	shalt  }
0x45: {  	_ =	shalt  }
0x46: {  	_ =	shalt  }
0x47: {  	_ =	shalt  }
0x48: {  	_ =	shalt  }
0x49: {  	_ =	shalt  }
0x4a: {  	_ =	shalt  }
0x4b: {  	_ =	shalt  }
0x4c: {  	_ =	shalt  }
0x4d: {  	_ =	shalt  }
0x4e: {  	_ =	shalt  }
0x4f: {  	_ =	shalt  }
0x50: {  	_ =	shalt  }
0x51: {  	_ =	shalt  }
0x52: {  	_ =	shalt  }
0x53: {  	_ =	shalt  }
0x54: {  	_ =	shalt  }
0x55: {  	_ =	shalt  }
0x56: {  	_ =	shalt  }
0x57: {  	_ =	shalt  }
0x58: {  	_ =	shalt  }
0x59: {  	_ =	shalt  }
0x5a: {  	_ =	shalt  }
0x5b: {  	_ =	shalt  }
0x5c: {  	_ =	shalt  }
0x5d: {  	_ =	shalt  }
0x5e: {  	_ =	shalt  }
0x5f: {  	_ =	shalt  }
0x60: {  	_ =	shalt  }
0x61: {  	_ =	shalt  }
0x62: {  	_ =	shalt  }
0x63: {  	_ =	shalt  }
0x64: {  	_ =	shalt  }
0x65: {  	_ =	shalt  }
0x66: {  	_ =	shalt  }
0x67: {  	_ =	shalt  }
0x68: {  	_ =	shalt  }
0x69: {  	_ =	shalt  }
0x6a: {  	_ =	shalt  }
0x6b: {  	_ =	shalt  }
0x6c: {  	_ =	shalt  }
0x6d: {  	_ =	shalt  }
0x6e: {  	_ =	shalt  }
0x6f: {  	_ =	shalt  }
0x70: {  	_ =	shalt  }
0x71: {  	_ =	shalt  }
0x72: {  	_ =	shalt  }
0x73: {  	_ =	shalt  }
0x74: {  	_ =	shalt  }
0x75: {  	_ =	shalt  }
0x76: {  	_ =	shalt  }
0x77: {  	_ =	shalt  }
0x78: {  	_ =	shalt  }
0x79: {  	_ =	shalt  }
0x7a: {  	_ =	shalt  }
0x7b: {  	_ =	shalt  }
0x7c: {  	_ =	shalt  }
0x7d: {  	_ =	shalt  }
0x7e: {  	_ =	shalt  }
0x7f: {  	_ =	shalt  }
0x80: {  	_ =	shalt  }
0x81: {  	_ =	shalt  }
0x82: {  	_ =	shalt  }
0x83: {  	_ =	shalt  }
0x84: {  	_ =	shalt  }
0x85: {  	_ =	shalt  }
0x86: {  	_ =	shalt  }
0x87: {  	_ =	shalt  }
.Lfunc_end0:
.L_simem_size_0:
called_computation.1_lowered:
.L_overlay_start_0:
0x88: {  	s2 =	sld [smem:$0x3FD9]  }
0x89: {  	s3 =	sld [smem:$0x3FFE];
	_ =	sdelay $0x1  }
0x8a: {  	s1 =	srdreg.scid  }
0x8b: {  	s0 =	sand.u32 $0x1, s1  }
0x8c: {  	s17 =	sshll.u32 s0, $0xA;
	s2 =	sadd.s32 s3, s2  }
0x8d: {  	s2 =	sadd.s32 s2, s17  }
0x8e: {  	[smem:$0x3FC0] =	sst s2  }
0x8f: {  	_ = 	snop  }
0x90: {  	s2 =	sld [smem:$0x3FD0];
	(tm) =	ssettm $0x1  }
0x91: {  	s18 =	sld [smem:$0x3FFB];
	_ =	sdelay $0x3  }
0x92: {  	_ =	strace s18  }
0x93: {  	s3 =	sld [smem:$0x3FFC];
	_ =	sdelay $0x3  }
0x94: {  	_ =	strace s3  }
0x95: {  	s3 =	sld [smem:$0x3FFD];
	_ =	sdelay $0x3  }
0x96: {  	_ =	strace s3  }
0x97: {  	_ =	strace $0x8FFFFFFF  }
0x98: {  	s19 =	sld [smem:$0x3FDB];
	_ =	sdelay $0x1  }
0x99: {  	s4 =	simm.s32 $_scs_section_size  }
0x9a: {  	s5 =	simm.s32 $_size__tile_overlayer_lowered;
	s6 =	simm.s32 $_tile_overlayer_lowered  }
0x9b: {  	s22 =	simm.s32 $0x1BFF;
	s21 =	sshll.u32 s6, $0x1;
	s3 =	sadd.s32 s4, s19  }
0x9c: {  	s7 =	simm.s32 $0x0;
	s20 =	sshll.u32 s5, $0x1;
	s5 =	sadd.s32 s21, s3  }
0x9d: {  	[timem:s7], [sflag:s22] =	dma.local [hbm:s5], s20  }
0x9e: {  	_ =	swait.ge [sflag:s22], s20  }
0x9f: {  	s4 =	ssub.s32 $0x0, s20;
	[sflag:s22] =	ssyncset.done $0x0  }
0xa0: {  	[sflag:s22] =	ssyncadd.s32 s4;
	_ =	sdelay $0x1  }
0xa1: {  	s23 =	simm.s32 $0x1B8B  }
0xa2: {  	_ =	swait.ge [sflag:s23], $0x1  }
0xa3: {  	[sflag:s23] =	ssyncset.done $0x0  }
0xa4: {  	s25 =	simm.s32 $0x1B8E;
	s24 =	sld [smem:$0x3FFE];
	[sflag:s23] =	ssyncadd.s32 $0xFFFFFFFF  }
0xa5: {  	s26 =	simm.s32 $execute0_lowered;
	[smem:$0x3FD2] =	sst s25  }
0xa6: {  	s5 =	sshll.u32 s26, $0x1;
	_ =	strace $0x80000049;
	[dreg:$0x1] =	wrdreg $0xFFFFFFFF  }
0xa7: {  	s28 =	simm.s32 $_size_execute0_lowered;
	s3 =	sadd.s32 s3, s5;
	[dreg:$0x0] =	wrdreg $0x0  }
0xa8: {  	s5 =	sshll.u32 s28, $0x1;
	[dreg:$0x2] =	wrdreg s3  }
0xa9: {  	[dreg:$0x3] =	wrdreg s5  }
0xaa: {  	[dreg:$0x4] =	wrdreg $0xC0  }
0xab: {  	_ =	task [dreg:s7], $0x5FFFF  }
0xac: {  	[dreg:$0x1] =	wrdreg $0xFFFFFFFF  }
0xad: {  	[dreg:$0x0] =	wrdreg $0x60  }
0xae: {  	[dreg:$0x2] =	wrdreg s24  }
0xaf: {  	[dreg:$0x3] =	wrdreg s2  }
0xb0: {  	[dreg:$0x4] =	wrdreg $0xB8000  }
0xb1: {  	[dreg:$0x5] =	wrdreg $0x9  }
0xb2: {  	_ =	task.clear_ibuf [dreg:s7], $0x6FFFF;
	_ =	strace $0x90000049  }
0xb3: {  	s29 =	simm.s32 $0x9;
	_ =	strace $0x8000004B  }
0xb4: {  	_ =	swait.ge [sflag:s29], $0x1  }
0xb5: {  	[sflag:s29] =	ssyncadd.s32 $0xFFFFFFFF  }
0xb6: {  	_ =	strace $0x9000004B  }
0xb7: {  	_ =	sfence  }
0xb8: {  	s30 =	sld [smem:$0x0];
	_ =	sdelay $0x2  }
0xb9: {  	s31 =	sshll.u32 s1, $0xD;
	s1 =	sshrl.u32 s1, $0x2  }
0xba: {  	s3 =	sand.u32 $0x4000, s31;
	s1 =	sadd.s32 s1, s30  }
0xbb: {  	s0 =	sor.u32 s3, s0;
	s1 =	sshll.u32 s1, $0x11  }
0xbc: {  	s0 =	sor.u32 s1, s0  }
0xbd: {  	s0 =	sadd.s32 $0x8F2B, s0  }
0xbe: {  	[sflag:s0] =	ssyncadd.remote.s32 $0x1  }
0xbf: {  	_ =	sfence.sel $0xFFFF  }
0xc0: {  	[dreg:$0x0] =	wrdreg $0xFFFFFFFF;
	(pc) =	sbr.abs _section_cstart, $3  }
0xc1: {  	[dreg:$0x1] =	wrdreg $0xFFFFFFFF  }
0xc2: {  	_ =	task.clear_ibuf [dreg:s7], $0x2FFFF;
	_ =	strace $0x9FFFFFFF  }
0xc3: {  	(tm) =	ssettm $0x7FFFFFFF  }
tec
execute0_lowered:
.L_overlay_start_1:
0x0: {  	(tag) =	ssettag $0x1  }
0x1: {  	s5 =	rddreg [dreg:$0x0]  }
0x2: {  	s6 =	rddreg [dreg:$0x1]  }
0x3: {  	s1 =	srdreg.scid;
	s0 =	stileid.u32  }
0x4: {  	s2 =	rddreg [dreg:$0x2];
	s23 =	simm.s32 $0x0;
	s18 =	simm.s32 $0xA000  }
0x5: {  	s19 =	simm.s32 $0x100;
	s20 =	simm.s32 $0xA800;
	s21 =	simm.s32 $0x180  }
0x6: {  	s22 =	simm.s32 $0xB000;
	s28 =	simm.s32 $0x0;
	s14 =	sand.u32 $0x1, s1  }
0x7: {  	s7 =	smul.u32 $0x2780, s0;
	[smem:$0x7FF] =	sst s23;
	s4 =	sadd.s32 $0x1200, s5  }
0x8: {  	s10 =	sadd.s32 $0x12800, s5;
	s11 =	sadd.s32 $0x8800, s5;
	s26 =	sshll.u32 s0, $0x6  }
0x9: {  	s29 =	sshll.u32 s0, $0x7;
	s16 =	smul.u32 $0x980, s0;
	s23 =	simm.s32 $0x1  }
0xa: {  	s8 =	smul.u32 $0x27800, s14;
	_ =	strace $0x8000004A;
	s9 =	ssub.s32 $0x2, s14  }
0xb: {  	p0 =	seq.s32 s14, $0x0;
	s30 =	sor.u32 $0x9800, s29;
	s24 =	sshrl.u32 s9, $0x1  }
0xc: {  	s25 =	sshrl.u32 s7, $0x3;
	s15 =	sadd.s32 s7, s2;
	s8 =	sadd.s32 s7, s8  }
0xd: {  	s13 =	ssub.s32 s9, s24;
	s7 =	simm.s32 $0x98;
	s9 =	sadd.s32 s11, s30  }
0xe: {  	s11 =	sadd.s32 s11, s16;
	s24 =	simm.s32 $0x2;
	s8 =	sshrl.u32 s8, $0x3  }
0xf: {  	s7 =	simm.s32 @!p0 $0x8;
	s13 =	smax.u32 s13, $0x1;
	p0 =	sne.s32 s14, $0x0  }
0x10: {  	s14 =	sshrl.u32 s15, $0x3;
	s15 =	simm.s32 $0x5;
	s12 =	sadd.s32 s8, s5  }
0x11: {  	s5 =	sadd.s32 s6, s25;
	s6 =	sor.u32 $0x1C05, s26;
	s8 =	sadd.s32 s10, s30  }
0x12: {  	s17 =	sshll.u32 s7, $0x9;
	s10 =	sadd.s32 s10, s16;
	s16 =	simm.s32 $0x80  }
0x13: {  	s25 =	simm.s32 $0x3;
	s26 =	simm.s32 $0x4;
	s31 =	sadd.s32 $0xFFFFF800, s17  }
0x14: {  	s12 =	sadd.s32 $0x1C800, s12;
	s17 =	simm.s32 $0x9800;
	[dreg:$0x4] =	wrdreg s31  }
.LBB2_1:
0x15: {  	[spmem:s14], [sflag:s6] =	dma.local [hbm:s5], $0x4F0  }
0x16: {  	_ =	swait.ge [sflag:s15], $0x4F0  }
0x17: {  	[sflag:s15] =	ssyncset.done $0x0  }
0x18: {  	s29 =	simm.s32 @p0 $0x0;
	s30 =	simm.s32 @p0 $0x5;
	[sflag:s15] =	ssyncadd.s32 $0xFFFFFB10  }
0x19: {  	[tilespmem:s29], [sflag:$0x5] =	stream.linear.gather @p0 [hbm4b:s8+s29], $0x400, $0x38;
	[tilespmem:$0xDF80] =	vst v63  }
0x1a: {  	_ =	swait.ge @p0 [sflag:s30], $0x400  }
0x1b: {  	[sflag:s30] =	ssyncset.done @p0 $0x0  }
0x1c: {  	s31 =	simm.s32 @p0 $0x4C00;
	[sflag:s30] =	ssyncadd.s32 @p0 $0xFFFFFC00  }
0x1d: {  	[tilespmem:s31], [sflag:$0x5] =	stream.linear.gather @p0 [hbm4b:s9+s29], $0x400, $0x38;
	[tilespmem:$0xDF80] =	vst v63  }
0x1e: {  	_ =	swait.ge @p0 [sflag:s30], $0x400  }
0x1f: {  	[sflag:s30] =	ssyncset.done @p0 $0x0  }
0x20: {  	s29 =	simm.s32 @!p0 $0x0;
	[sflag:s30] =	ssyncadd.s32 @p0 $0xFFFFFC00;
	s30 =	simm.s32 @!p0 $0x5  }
0x21: {  	[tilespmem:s29], [sflag:$0x5] =	stream.linear.gather @!p0 [hbm4b:s10+s29], $0x4C00, $0x38;
	[tilespmem:$0xDF80] =	vst v63  }
0x22: {  	_ =	swait.ge @!p0 [sflag:s30], $0x4C00  }
0x23: {  	[sflag:s30] =	ssyncset.done @!p0 $0x0  }
0x24: {  	s31 =	simm.s32 @!p0 $0x4C00;
	[sflag:s30] =	ssyncadd.s32 @!p0 $0xFFFFB400  }
0x25: {  	[tilespmem:s31], [sflag:$0x5] =	stream.linear.gather @!p0 [hbm4b:s11+s29], $0x4C00, $0x38;
	[tilespmem:$0xDF80] =	vst v63  }
0x26: {  	_ =	swait.ge @!p0 [sflag:s30], $0x4C00  }
0x27: {  	[sflag:s30] =	ssyncset.done @!p0 $0x0  }
0x28: {  	[sflag:s30] =	ssyncadd.s32 @!p0 $0xFFFFB400  }
0x29: {  	s0 =	simm.s32 $0x0;
	[bflag:$0x0] =	sbarrier.arrive $0xFFFF  }
0x2a: {  	[tilespmem:s17], [sflag:$0x1] =	stream.indirect.gather [hbm4b:s4+s16], $0x10, s0, s16, $0xb8;
	[tilespmem:$0xDF80] =	vst v63  }
0x2b: {  	_ = 	snop  }
0x2c: {  	[tilespmem:s18], [sflag:$0x2] =	stream.indirect.gather [hbm4b:s4+s16], $0x10, s16, s16, $0xb8;
	[tilespmem:$0xDF80] =	vst v63  }
0x2d: {  	_ = 	snop  }
0x2e: {  	[tilespmem:s20], [sflag:$0x3] =	stream.indirect.gather [hbm4b:s4+s16], $0x10, s19, s16, $0xb8;
	[tilespmem:$0xDF80] =	vst v63  }
0x2f: {  	s29 =	simm.s32 $0x0;
	s30 =	simm.s32 $0x7  }
0x30: {  	[tilespmem:s22], [sflag:$0x4] =	stream.indirect.gather [hbm4b:s4+s16], $0x10, s21, s16, $0xb8;
	[tilespmem:$0xDF80] =	vst v63  }
.LBB2_2:
0x31: {  	_ =	swait.ge [sflag:s23], $0x800  }
0x32: {  	s31 =	sshra.s32 s29, $0x2;
	[sflag:s23] =	ssyncset.done $0x0  }
0x33: {  	s0 =	sadd.s32 $0xFFFFFFFD, s30;
	s1 =	sadd.s32 $0x4C00, s31;
	[sflag:s23] =	ssyncadd.s32 $0xFFFFF800  }
0x34: {  	[spmem:s2] =	stream.indirect.scatter.add.f32 [tilespmem:s17], [sflag:$0x5], $0x10, s1, s16, $0xb8;
	[tilespmem:$0xDF80] =	vst v63  }
0x35: {  	p1 =	sge.u32 s0, s7;
	_ =	swait.ge [sflag:s15], $0x800  }
0x36: {  	s0 =	simm.s32 @!p1 $0x80;
	s1 =	sshra.s32 @!p1 s29, $0x2;
	[sflag:s15] =	ssyncset.done $0x0  }
0x37: {  	s3 =	simm.s32 @!p1 $0x9800;
	s1 =	sadd.s32 @!p1 $0x200, s1;
	[sflag:s15] =	ssyncadd.s32 $0xFFFFF800  }
0x38: {  	[tilespmem:s3], [sflag:$0x1] =	stream.indirect.gather @!p1 [hbm4b:s4+s0], $0x10, s1, s0, $0xb8;
	[tilespmem:$0xDF80] =	vst v63  }
0x39: {  	_ =	swait.ge [sflag:s24], $0x800  }
0x3a: {  	[sflag:s24] =	ssyncset.done $0x0  }
0x3b: {  	s1 =	sadd.s32 $0x4C80, s31;
	s3 =	sadd.s32 $0xFFFFFFFE, s30;
	[sflag:s24] =	ssyncadd.s32 $0xFFFFF800  }
0x3c: {  	[spmem:s2] =	stream.indirect.scatter.add.f32 [tilespmem:s18], [sflag:$0x5], $0x10, s1, s16, $0xb8;
	[tilespmem:$0xDF80] =	vst v63  }
0x3d: {  	p1 =	sge.u32 s3, s7;
	_ =	swait.ge [sflag:s15], $0x800  }
0x3e: {  	s0 =	sshra.s32 @!p1 s29, $0x2;
	s3 =	simm.s32 @!p1 $0xA000;
	[sflag:s15] =	ssyncset.done $0x0  }
0x3f: {  	s0 =	sadd.s32 @!p1 $0x280, s0;
	s1 =	simm.s32 @!p1 $0x80;
	[sflag:s15] =	ssyncadd.s32 $0xFFFFF800  }
0x40: {  	[tilespmem:s3], [sflag:$0x2] =	stream.indirect.gather @!p1 [hbm4b:s4+s1], $0x10, s0, s1, $0xb8;
	[tilespmem:$0xDF80] =	vst v63  }
0x41: {  	_ =	swait.ge [sflag:s25], $0x800  }
0x42: {  	[sflag:s25] =	ssyncset.done $0x0  }
0x43: {  	s1 =	sadd.s32 $0x4D00, s31;
	s3 =	sadd.s32 $0xFFFFFFFF, s30;
	[sflag:s25] =	ssyncadd.s32 $0xFFFFF800  }
0x44: {  	[spmem:s2] =	stream.indirect.scatter.add.f32 [tilespmem:s20], [sflag:$0x5], $0x10, s1, s16, $0xb8;
	[tilespmem:$0xDF80] =	vst v63  }
0x45: {  	p1 =	sge.u32 s3, s7;
	_ =	swait.ge [sflag:s15], $0x800  }
0x46: {  	s0 =	sshra.s32 @!p1 s29, $0x2;
	s3 =	simm.s32 @!p1 $0xA800;
	[sflag:s15] =	ssyncset.done $0x0  }
0x47: {  	s0 =	sadd.s32 @!p1 $0x300, s0;
	s1 =	simm.s32 @!p1 $0x80;
	[sflag:s15] =	ssyncadd.s32 $0xFFFFF800  }
0x48: {  	[tilespmem:s3], [sflag:$0x3] =	stream.indirect.gather @!p1 [hbm4b:s4+s1], $0x10, s0, s1, $0xb8;
	[tilespmem:$0xDF80] =	vst v63  }
0x49: {  	_ =	swait.ge [sflag:s26], $0x800  }
0x4a: {  	[sflag:s26] =	ssyncset.done $0x0  }
0x4b: {  	s31 =	sadd.s32 $0x4D80, s31;
	p1 =	sge.u32 s30, s7;
	[sflag:s26] =	ssyncadd.s32 $0xFFFFF800  }
0x4c: {  	[spmem:s2] =	stream.indirect.scatter.add.f32 [tilespmem:s22], [sflag:$0x5], $0x10, s31, s16, $0xb8;
	[tilespmem:$0xDF80] =	vst v63  }
0x4d: {  	s0 =	sshra.s32 @!p1 s29, $0x2;
	s1 =	simm.s32 @!p1 $0x80;
	_ =	swait.ge [sflag:s15], $0x800  }
0x4e: {  	s3 =	simm.s32 @!p1 $0xB000;
	s29 =	sadd.s32 $0x800, s29;
	[sflag:s15] =	ssyncset.done $0x0  }
0x4f: {  	s0 =	sadd.s32 @!p1 $0x380, s0;
	s31 =	rddreg [dreg:$0x4];
	[sflag:s15] =	ssyncadd.s32 $0xFFFFF800  }
0x50: {  	[tilespmem:s3], [sflag:$0x4] =	stream.indirect.gather @!p1 [hbm4b:s4+s1], $0x10, s0, s1, $0xb8;
	[tilespmem:$0xDF80] =	vst v63  }
0x51: {  	p1 =	sne.s32 s31, s29  }
.Ltmp0:
0x52: {  	_ = 	snop;
	(pc) =	sbr.rel @p1 .LBB2_2-.Ltmp0, $2  }
0x53: {  	_ =	sdelay $0x2  }
0x54: {  	s30 =	sadd.s32 $0x4, s30  }
0x55: {  	_ =	swait.ge [sflag:s23], $0x800  }
0x56: {  	s0 =	sshra.s32 s29, $0x2;
	[sflag:s23] =	ssyncset.done $0x0  }
0x57: {  	s31 =	sadd.s32 $0xFFFFFFFD, s30;
	s1 =	sadd.s32 $0x4C00, s0;
	[sflag:s23] =	ssyncadd.s32 $0xFFFFF800  }
0x58: {  	[spmem:s2] =	stream.indirect.scatter.add.f32 [tilespmem:s17], [sflag:$0x5], $0x10, s1, s16, $0xb8;
	[tilespmem:$0xDF80] =	vst v63  }
0x59: {  	p1 =	sge.u32 s31, s7;
	_ =	swait.ge [sflag:s15], $0x800  }
0x5a: {  	s3 =	simm.s32 @!p1 $0x80;
	s1 =	sshra.s32 @!p1 s29, $0x2;
	[sflag:s15] =	ssyncset.done $0x0  }
0x5b: {  	s31 =	simm.s32 @!p1 $0x9800;
	s1 =	sadd.s32 @!p1 $0x200, s1;
	[sflag:s15] =	ssyncadd.s32 $0xFFFFF800  }
0x5c: {  	[tilespmem:s31], [sflag:$0x1] =	stream.indirect.gather @!p1 [hbm4b:s4+s3], $0x10, s1, s3, $0xb8;
	[tilespmem:$0xDF80] =	vst v63  }
0x5d: {  	_ =	swait.ge [sflag:s24], $0x800  }
0x5e: {  	[sflag:s24] =	ssyncset.done $0x0  }
0x5f: {  	s3 =	sadd.s32 $0x4C80, s0;
	s31 =	sadd.s32 $0xFFFFFFFE, s30;
	[sflag:s24] =	ssyncadd.s32 $0xFFFFF800  }
0x60: {  	[spmem:s2] =	stream.indirect.scatter.add.f32 [tilespmem:s18], [sflag:$0x5], $0x10, s3, s16, $0xb8;
	[tilespmem:$0xDF80] =	vst v63  }
0x61: {  	p1 =	sge.u32 s31, s7;
	_ =	swait.ge [sflag:s15], $0x800  }
0x62: {  	s1 =	sshra.s32 @!p1 s29, $0x2;
	s31 =	simm.s32 @!p1 $0xA000;
	[sflag:s15] =	ssyncset.done $0x0  }
0x63: {  	s1 =	sadd.s32 @!p1 $0x280, s1;
	s3 =	simm.s32 @!p1 $0x80;
	[sflag:s15] =	ssyncadd.s32 $0xFFFFF800  }
0x64: {  	[tilespmem:s31], [sflag:$0x2] =	stream.indirect.gather @!p1 [hbm4b:s4+s3], $0x10, s1, s3, $0xb8;
	[tilespmem:$0xDF80] =	vst v63  }
0x65: {  	_ =	swait.ge [sflag:s25], $0x800  }
0x66: {  	[sflag:s25] =	ssyncset.done $0x0  }
0x67: {  	s3 =	sadd.s32 $0x4D00, s0;
	s31 =	sadd.s32 $0xFFFFFFFF, s30;
	[sflag:s25] =	ssyncadd.s32 $0xFFFFF800  }
0x68: {  	[spmem:s2] =	stream.indirect.scatter.add.f32 [tilespmem:s20], [sflag:$0x5], $0x10, s3, s16, $0xb8;
	[tilespmem:$0xDF80] =	vst v63  }
0x69: {  	p1 =	sge.u32 s31, s7;
	_ =	swait.ge [sflag:s15], $0x800  }
0x6a: {  	s1 =	sshra.s32 @!p1 s29, $0x2;
	s31 =	simm.s32 @!p1 $0xA800;
	[sflag:s15] =	ssyncset.done $0x0  }
0x6b: {  	s1 =	sadd.s32 @!p1 $0x300, s1;
	s3 =	simm.s32 @!p1 $0x80;
	[sflag:s15] =	ssyncadd.s32 $0xFFFFF800  }
0x6c: {  	[tilespmem:s31], [sflag:$0x3] =	stream.indirect.gather @!p1 [hbm4b:s4+s3], $0x10, s1, s3, $0xb8;
	[tilespmem:$0xDF80] =	vst v63  }
0x6d: {  	_ =	swait.ge [sflag:s26], $0x800  }
0x6e: {  	[sflag:s26] =	ssyncset.done $0x0  }
0x6f: {  	s0 =	sadd.s32 $0x4D80, s0;
	[sflag:s26] =	ssyncadd.s32 $0xFFFFF800  }
0x70: {  	[spmem:s2] =	stream.indirect.scatter.add.f32 [tilespmem:s22], [sflag:$0x5], $0x10, s0, s16, $0xb8;
	[tilespmem:$0xDF80] =	vst v63  }
0x71: {  	s28 =	sadd.s32 $0x1, s28;
	p1 =	sge.u32 s30, s7;
	_ =	swait.ge [sflag:s15], $0x800  }
0x72: {  	s1 =	simm.s32 @!p1 $0x80;
	s0 =	sshra.s32 @!p1 s29, $0x2;
	[sflag:s15] =	ssyncset.done $0x0  }
0x73: {  	s3 =	simm.s32 @!p1 $0xB000;
	s0 =	sadd.s32 @!p1 $0x380, s0;
	[sflag:s15] =	ssyncadd.s32 $0xFFFFF800  }
0x74: {  	[tilespmem:s3], [sflag:$0x4] =	stream.indirect.gather @!p1 [hbm4b:s4+s1], $0x10, s0, s1, $0xb8;
	[tilespmem:$0xDF80] =	vst v63  }
0x75: {  	p1 =	sne.s32 s28, s13  }
.Ltmp1:
0x76: {  	[bflag:$0x0] =	sbarrier.arrive $0xFFFF;
	(pc) =	sbr.rel @p1 .LBB2_1-.Ltmp1, $4  }
0x77: {  	[hbm:s12], [sflag:s6] =	dma.local [spmem:s14], $0x4F0  }
0x78: {  	_ =	swait.ge [sflag:s15], $0x4F0  }
0x79: {  	[sflag:s15] =	ssyncset.done $0x0  }
0x7a: {  	[sflag:s15] =	ssyncadd.s32 $0xFFFFFB10  }
0x7b: {  	_ =	sfence.sel $0x180000  }
0x7c: {  	[bflag:$0x0] =	sbarrier.arrive $0xFFFF  }
0x7d: {  	_ =	strace $0x9000004A  }
0x7e: {  	s0 =	stileid.u32;
	[bflag:$0x2] =	sbarrier.arrive $0xFFFF  }
0x7f: {  	p0 =	sne.s32 s0, $0x0;
	s0 =	rddreg [dreg:$0x3]  }
0x80: {  	s0 =	sadd.s32 @!p0 $0x100000, s0  }
0x81: {  	[sflag:s0] =	ssyncadd.tile.s32 @!p0 $0x1;
	_ =	shalt  }
.Lfunc_end2:
_tile_overlayer_lowered:
.L_overlay_start_2:
0x82: {  	(tag) =	ssettag $0x2  }
0x83: {  	s0 =	rddreg [dreg:$0x0];
	s2 =	stileid.u32  }
0x84: {  	s1 =	rddreg [dreg:$0x1];
	p0 =	sne.s32 s2, $0x0  }
0x85: {  	s3 =	rddreg [dreg:$0x2];
	[bflag:$0x3] =	sbarrier.arrive $0xFFFF;
	s2 =	simm.s32 @!p0 $0x1C05  }
0x86: {  	[timem:s3], [sflag:s2] =	dma.local @!p0 [hbm:s0], s1  }
0x87: {  	s0 =	simm.s32 @!p0 $0x5  }
0x88: {  	_ =	swait.ge @!p0 [sflag:s0], s1  }
0x89: {  	s1 =	ssub.s32 @!p0 $0x0, s1;
	[sflag:s0] =	ssyncset.done @!p0 $0x0  }
0x8a: {  	[sflag:s0] =	ssyncadd.s32 @!p0 s1  }
0x8b: {  	[bflag:$0x3] =	sbarrier.arrive $0xFFFF  }
0x8c: {  	_ =	shalt  }

// kernel: kernel.8.cloned.1.call-start
scs
__scs_entry_jumppad:
0x0: {  	(pc) =	sbr.rel $0x88, $3  }
0x1: {  	(tag) =	ssettag $0x0;
	lr =	simm.s32 $0x1  }
0x2: {  	[smem:$0x3F99] =	sst lr;
	_ =	strace $0xD0000000  }
0x3: {  	_ = 	snop  }
0x4: {  	_ = 	snop  }
0x5: {  	_ = 	snop  }
0x6: {  	_ = 	snop  }
0x7: {  	_ = 	snop  }
__scs_overlays_trampoline_lowered:
0x8: {  	[smem:$0x3FA8] =	sst s0  }
0x9: {  	[smem:$0x3FA9] =	sst s1  }
0xa: {  	[smem:$0x3FAA] =	sst s2  }
0xb: {  	[smem:$0x3FAB] =	sst s3  }
0xc: {  	[smem:$0x3FAC] =	sst s4  }
0xd: {  	[smem:$0x3FAD] =	sst s5  }
0xe: {  	[smem:$0x3FAE] =	sst s6  }
0xf: {  	[smem:$0x3FAF] =	sst s7  }
0x10: {  	[smem:$0x3FB0] =	sst s8  }
0x11: {  	[smem:$0x3FB1] =	sst s9;
	s0 =	simm.s32 @!p0 $0x0  }
0x12: {  	s1 =	sld [smem:$0x3F97];
	s0 =	simm.s32 @p0 $0x1  }
0x13: {  	[smem:$0x3FB2] =	sst s0;
	s0 =	simm.s32 @!p1 $0x0  }
0x14: {  	s2 =	sld [smem:$0x3F96];
	s0 =	simm.s32 @p1 $0x1  }
0x15: {  	[smem:$0x3FB3] =	sst s0;
	s0 =	simm.s32 @!p2 $0x0  }
0x16: {  	s3 =	sld [smem:$0x3FDB];
	s0 =	simm.s32 @p2 $0x1  }
0x17: {  	s4 =	simm.s32 $0x1BF5;
	[smem:$0x3FB5] =	sst s0  }
0x18: {  	s0 =	sld [smem:$0x3F98];
	_ =	swait.ge [sflag:s4], $0x0  }
0x19: {  	s7 =	sld [smem:$0x3F99]  }
0x1a: {  	s8 =	sadd.s32 $0xFFFFE003, lr  }
0x1b: {  	s9 =	sadd.s32 $0xFFFFFEF7, lr;
	s5 =	simm.s32 $0xFFFFFFFF;
	p2 =	slt.u32 s8, $0xFFFFF086  }
0x1c: {  	p1 =	slt.u32 s9, $0xF7A;
	s5 =	simm.s32 @!p2 $0x0  }
0x1d: {  	s5 =	simm.s32 @p1 $0x1;
	p0 =	seq.s32 s7, s2  }
0x1e: {  	s7 =	smul.u32 @!p0 $0xF7A, s2;
	p2 =	seq.s32 @!p0 s5, $0x0  }
0x1f: {  	s9 =	smul.u32 $0xF7A, s1;
	s8 =	simm.s32 @!p0 $0x1BF5;
	p2 =	por !p2, p0  }
0x20: {  	[sflag:s8] =	ssyncset.s32 @!p0 $0xFFFFF086;
	s6 =	sadd.s32 @!p0 s3, s7;
	s7 =	simm.s32 @!p0 $0x108  }
0x21: {  	s3 =	sadd.s32 s3, s9;
	s6 =	sadd.s32 @!p0 $0x88, s6;
	s7 =	simm.s32 @p2 $0x1082  }
0x22: {  	[simem:s7], [sflag:s8] =	dma.local @!p0 [hbm:s6], $0xF7A  }
0x23: {  	s9 =	sor.u32 $0xD0000000, s2;
	s6 =	simm.s32 $0x108;
	_ =	swait.ge @!p0 [sflag:s8], $0x0  }
0x24: {  	s3 =	sadd.s32 $0x88, s3;
	s6 =	simm.s32 @!p1 $0x1082;
	[sflag:s4] =	ssyncset.s32 $0xFFFFF086  }
0x25: {  	[simem:s6], [sflag:s4] =	dma.local [hbm:s3], $0xF7A  }
0x26: {  	[smem:$0x3F99] =	sst s1;
	(tag) =	ssettag s2;
	_ =	strace s9  }
0x27: {  	s1 =	sld [smem:$0x3FA9]  }
0x28: {  	s2 =	sld [smem:$0x3FAA]  }
0x29: {  	s4 =	sld [smem:$0x3FAC]  }
0x2a: {  	p0 =	seq.s32 s5, $0x0;
	s5 =	sld [smem:$0x3FAD]  }
0x2b: {  	s6 =	sld [smem:$0x3FAE]  }
0x2c: {  	s7 =	sld [smem:$0x3FAF]  }
0x2d: {  	s3 =	simm.s32 $0x108;
	s8 =	sld [smem:$0x3FB0]  }
0x2e: {  	s3 =	simm.s32 @!p0 $0x1082;
	s9 =	sld [smem:$0x3FB1]  }
0x2f: {  	lr =	sadd.s32 s0, s3;
	s0 =	sld [smem:$0x3FA8]  }
0x30: {  	s3 =	sld [smem:$0x3FAB]  }
0x31: {  	[smem:$0x3FB4] =	sst s10  }
0x32: {  	s10 =	sld [smem:$0x3FB2];
	_ =	sdelay $0x3  }
0x33: {  	p0 =	seq.s32 s10, $0x1;
	s10 =	sld [smem:$0x3FB4];
	_ =	sdelay $0x3  }
0x34: {  	[smem:$0x3FB4] =	sst s10  }
0x35: {  	s10 =	sld [smem:$0x3FB3];
	_ =	sdelay $0x3  }
0x36: {  	p1 =	seq.s32 s10, $0x1;
	s10 =	sld [smem:$0x3FB4];
	_ =	sdelay $0x3  }
0x37: {  	[smem:$0x3FB4] =	sst s10  }
0x38: {  	s10 =	sld [smem:$0x3FB5]  }
0x39: {  	_ = 	snop;
	(pc) =	sbr.ind lr, $3  }
0x3a: {  	_ = 	snop  }
0x3b: {  	_ = 	snop  }
0x3c: {  	p2 =	seq.s32 s10, $0x1;
	s10 =	sld [smem:$0x3FB4]  }
0x3d: {  	_ =	shalt  }
0x3e: {  	_ =	shalt  }
0x3f: {  	_ =	shalt  }
0x40: {  	_ =	shalt  }
0x41: {  	_ =	shalt  }
0x42: {  	_ =	shalt  }
0x43: {  	_ =	shalt  }
0x44: {  	_ =	shalt  }
0x45: {  	_ =	shalt  }
0x46: {  	_ =	shalt  }
0x47: {  	_ =	shalt  }
0x48: {  	_ =	shalt  }
0x49: {  	_ =	shalt  }
0x4a: {  	_ =	shalt  }
0x4b: {  	_ =	shalt  }
0x4c: {  	_ =	shalt  }
0x4d: {  	_ =	shalt  }
0x4e: {  	_ =	shalt  }
0x4f: {  	_ =	shalt  }
0x50: {  	_ =	shalt  }
0x51: {  	_ =	shalt  }
0x52: {  	_ =	shalt  }
0x53: {  	_ =	shalt  }
0x54: {  	_ =	shalt  }
0x55: {  	_ =	shalt  }
0x56: {  	_ =	shalt  }
0x57: {  	_ =	shalt  }
0x58: {  	_ =	shalt  }
0x59: {  	_ =	shalt  }
0x5a: {  	_ =	shalt  }
0x5b: {  	_ =	shalt  }
0x5c: {  	_ =	shalt  }
0x5d: {  	_ =	shalt  }
0x5e: {  	_ =	shalt  }
0x5f: {  	_ =	shalt  }
0x60: {  	_ =	shalt  }
0x61: {  	_ =	shalt  }
0x62: {  	_ =	shalt  }
0x63: {  	_ =	shalt  }
0x64: {  	_ =	shalt  }
0x65: {  	_ =	shalt  }
0x66: {  	_ =	shalt  }
0x67: {  	_ =	shalt  }
0x68: {  	_ =	shalt  }
0x69: {  	_ =	shalt  }
0x6a: {  	_ =	shalt  }
0x6b: {  	_ =	shalt  }
0x6c: {  	_ =	shalt  }
0x6d: {  	_ =	shalt  }
0x6e: {  	_ =	shalt  }
0x6f: {  	_ =	shalt  }
0x70: {  	_ =	shalt  }
0x71: {  	_ =	shalt  }
0x72: {  	_ =	shalt  }
0x73: {  	_ =	shalt  }
0x74: {  	_ =	shalt  }
0x75: {  	_ =	shalt  }
0x76: {  	_ =	shalt  }
0x77: {  	_ =	shalt  }
0x78: {  	_ =	shalt  }
0x79: {  	_ =	shalt  }
0x7a: {  	_ =	shalt  }
0x7b: {  	_ =	shalt  }
0x7c: {  	_ =	shalt  }
0x7d: {  	_ =	shalt  }
0x7e: {  	_ =	shalt  }
0x7f: {  	_ =	shalt  }
0x80: {  	_ =	shalt  }
0x81: {  	_ =	shalt  }
0x82: {  	_ =	shalt  }
0x83: {  	_ =	shalt  }
0x84: {  	_ =	shalt  }
0x85: {  	_ =	shalt  }
0x86: {  	_ =	shalt  }
0x87: {  	_ =	shalt  }
.Lfunc_end0:
.L_simem_size_0:
called_computation_lowered:
.L_overlay_start_0:
0x88: {  	s2 =	sld [smem:$0x3FD9]  }
0x89: {  	s3 =	sld [smem:$0x3FFE];
	_ =	sdelay $0x1  }
0x8a: {  	s1 =	srdreg.scid  }
0x8b: {  	s0 =	sand.u32 $0x1, s1  }
0x8c: {  	s16 =	sshll.u32 s0, $0xA;
	s2 =	sadd.s32 s3, s2  }
0x8d: {  	s2 =	sadd.s32 s2, s16  }
0x8e: {  	[smem:$0x3FC0] =	sst s2  }
0x8f: {  	_ = 	snop  }
0x90: {  	(tm) =	ssettm $0x1  }
0x91: {  	s17 =	sld [smem:$0x3FFB];
	_ =	sdelay $0x3  }
0x92: {  	_ =	strace s17  }
0x93: {  	s2 =	sld [smem:$0x3FFC];
	_ =	sdelay $0x3  }
0x94: {  	_ =	strace s2  }
0x95: {  	s2 =	sld [smem:$0x3FFD];
	_ =	sdelay $0x3  }
0x96: {  	_ =	strace s2  }
0x97: {  	_ =	strace $0x8FFFFFFF  }
0x98: {  	s18 =	sld [smem:$0x3FDB];
	_ =	sdelay $0x1  }
0x99: {  	s19 =	simm.s32 $_scs_section_size  }
0x9a: {  	s4 =	simm.s32 $_size__tile_overlayer_lowered;
	s5 =	simm.s32 $_tile_overlayer_lowered  }
0x9b: {  	s22 =	simm.s32 $0x1BFF;
	s21 =	sshll.u32 s5, $0x1;
	s2 =	sadd.s32 s19, s18  }
0x9c: {  	s6 =	simm.s32 $0x0;
	s20 =	sshll.u32 s4, $0x1;
	s4 =	sadd.s32 s21, s2  }
0x9d: {  	[timem:s6], [sflag:s22] =	dma.local [hbm:s4], s20  }
0x9e: {  	_ =	swait.ge [sflag:s22], s20  }
0x9f: {  	s3 =	ssub.s32 $0x0, s20;
	[sflag:s22] =	ssyncset.done $0x0  }
0xa0: {  	[sflag:s22] =	ssyncadd.s32 s3;
	_ =	sdelay $0x1  }
0xa1: {  	s23 =	simm.s32 $0x1B8B  }
0xa2: {  	_ =	swait.ge [sflag:s23], $0x1  }
0xa3: {  	[sflag:s23] =	ssyncset.done $0x0  }
0xa4: {  	s25 =	simm.s32 $0x1B8E;
	s24 =	sld [smem:$0x3FFE];
	[sflag:s23] =	ssyncadd.s32 $0xFFFFFFFF  }
0xa5: {  	s26 =	simm.s32 $execute0_lowered;
	[smem:$0x3FD2] =	sst s25  }
0xa6: {  	s4 =	sshll.u32 s26, $0x1;
	_ =	strace $0x80000046;
	[dreg:$0x1] =	wrdreg $0xFFFFFFFF  }
0xa7: {  	s28 =	simm.s32 $_size_execute0_lowered;
	s2 =	sadd.s32 s2, s4;
	[dreg:$0x0] =	wrdreg $0x0  }
0xa8: {  	s4 =	sshll.u32 s28, $0x1;
	[dreg:$0x2] =	wrdreg s2  }
0xa9: {  	[dreg:$0x3] =	wrdreg s4  }
0xaa: {  	[dreg:$0x4] =	wrdreg $0xC0  }
0xab: {  	_ =	task [dreg:s6], $0x5FFFF  }
0xac: {  	[dreg:$0x1] =	wrdreg $0xFFFFFFFF  }
0xad: {  	[dreg:$0x0] =	wrdreg $0x60  }
0xae: {  	[dreg:$0x2] =	wrdreg s24  }
0xaf: {  	[dreg:$0x3] =	wrdreg $0xC8000  }
0xb0: {  	[dreg:$0x4] =	wrdreg $0x9  }
0xb1: {  	_ =	task.clear_ibuf [dreg:s6], $0x5FFFF;
	_ =	strace $0x90000046  }
0xb2: {  	s29 =	simm.s32 $0x9;
	_ =	strace $0x80000048  }
0xb3: {  	_ =	swait.ge [sflag:s29], $0x1  }
0xb4: {  	[sflag:s29] =	ssyncadd.s32 $0xFFFFFFFF  }
0xb5: {  	_ =	strace $0x90000048  }
0xb6: {  	_ =	sfence  }
0xb7: {  	s30 =	sld [smem:$0x0];
	_ =	sdelay $0x2  }
0xb8: {  	s31 =	sshll.u32 s1, $0xD;
	s1 =	sshrl.u32 s1, $0x2  }
0xb9: {  	s3 =	sand.u32 $0x4000, s31;
	s1 =	sadd.s32 s1, s30  }
0xba: {  	s0 =	sor.u32 s3, s0;
	s1 =	sshll.u32 s1, $0x11  }
0xbb: {  	s0 =	sor.u32 s1, s0  }
0xbc: {  	s0 =	sadd.s32 $0x8F2B, s0  }
0xbd: {  	[sflag:s0] =	ssyncadd.remote.s32 $0x1  }
0xbe: {  	_ =	sfence.sel $0xFFFF  }
0xbf: {  	[dreg:$0x0] =	wrdreg $0xFFFFFFFF;
	(pc) =	sbr.abs _section_cstart, $3  }
0xc0: {  	[dreg:$0x1] =	wrdreg $0xFFFFFFFF  }
0xc1: {  	_ =	task.clear_ibuf [dreg:s6], $0x2FFFF;
	_ =	strace $0x9FFFFFFF  }
0xc2: {  	(tm) =	ssettm $0x7FFFFFFF  }
0xc3: {  	_ =	shalt  }
tec
execute0_lowered:
.L_overlay_start_1:
0x0: {  	(tag) =	ssettag $0x1  }
0x1: {  	s5 =	rddreg [dreg:$0x0]  }
0x2: {  	s2 =	rddreg [dreg:$0x1];
	s1 =	simm.s32 $0x0;
	s0 =	stileid.u32  }
0x3: {  	s4 =	srdreg.scid;
	s18 =	simm.s32 $0xA400;
	s19 =	simm.s32 $0x100  }
0x4: {  	s20 =	simm.s32 $0xB000;
	s21 =	simm.s32 $0x180;
	s22 =	simm.s32 $0xBC00  }
0x5: {  	s23 =	simm.s32 $0x1;
	s24 =	simm.s32 $0x2;
	s25 =	simm.s32 $0x3  }
0x6: {  	s28 =	simm.s32 $0x0;
	[smem:$0x7FF] =	sst s1;
	s6 =	smul.u32 $0x3B40, s0  }
0x7: {  	s14 =	sand.u32 $0x1, s4;
	s4 =	sadd.s32 $0x1200, s5;
	s10 =	sadd.s32 $0x12800, s5  }
0x8: {  	s11 =	sadd.s32 $0x8800, s5;
	s26 =	sshll.u32 s0, $0x6;
	s31 =	smul.u32 $0x980, s0  }
0x9: {  	s29 =	sshll.u32 s0, $0x7;
	_ =	strace $0x80000047;
	s7 =	smul.u32 $0x3B400, s14  }
0xa: {  	s9 =	ssub.s32 $0x2, s14;
	p0 =	seq.s32 s14, $0x0;
	s30 =	sor.u32 $0x9800, s29  }
0xb: {  	s8 =	sshrl.u32 s6, $0x3;
	s12 =	sshrl.u32 s9, $0x1;
	s16 =	sadd.s32 s6, s2  }
0xc: {  	s7 =	sadd.s32 s6, s7;
	s8 =	sadd.s32 s8, s5;
	s15 =	ssub.s32 s9, s12  }
0xd: {  	s6 =	sor.u32 $0x1C05, s26;
	s9 =	sadd.s32 s11, s30;
	s7 =	sshrl.u32 s7, $0x3  }
0xe: {  	s11 =	sadd.s32 s11, s31;
	s26 =	simm.s32 $0x4;
	s13 =	sadd.s32 s7, s5  }
0xf: {  	s5 =	sadd.s32 $0x1C800, s8;
	s7 =	simm.s32 $0x98;
	s8 =	sadd.s32 s10, s30  }
0x10: {  	s10 =	sadd.s32 s10, s31;
	s7 =	simm.s32 @!p0 $0x8;
	s12 =	sadd.s32 $0x24000, s13  }
0x11: {  	s13 =	smax.u32 s15, $0x1;
	p0 =	sne.s32 s14, $0x0;
	s17 =	sshll.u32 s7, $0x9  }
0x12: {  	s14 =	sshrl.u32 s16, $0x3;
	s15 =	simm.s32 $0x5;
	s17 =	sadd.s32 $0xFFFFF800, s17  }
0x13: {  	s16 =	simm.s32 $0x80;
	[dreg:$0x3] =	wrdreg s17;
	s17 =	simm.s32 $0x9800  }
.LBB2_1:
0x14: {  	[spmem:s14], [sflag:s6] =	dma.local [hbm:s5], $0x768  }
0x15: {  	_ =	swait.ge [sflag:s15], $0x768  }
0x16: {  	[sflag:s15] =	ssyncset.done $0x0  }
0x17: {  	s29 =	simm.s32 @p0 $0x0;
	s30 =	simm.s32 @p0 $0x5;
	[sflag:s15] =	ssyncadd.s32 $0xFFFFF898  }
0x18: {  	[tilespmem:s29], [sflag:$0x5] =	stream.linear.gather @p0 [hbm4b:s8+s29], $0x400, $0x38;
	[tilespmem:$0x10340] =	vst v63  }
0x19: {  	_ =	swait.ge @p0 [sflag:s30], $0x400  }
0x1a: {  	[sflag:s30] =	ssyncset.done @p0 $0x0  }
0x1b: {  	s31 =	simm.s32 @p0 $0x4C00;
	[sflag:s30] =	ssyncadd.s32 @p0 $0xFFFFFC00  }
0x1c: {  	[tilespmem:s31], [sflag:$0x5] =	stream.linear.gather @p0 [hbm4b:s9+s29], $0x400, $0x38;
	[tilespmem:$0x10340] =	vst v63  }
0x1d: {  	_ =	swait.ge @p0 [sflag:s30], $0x400  }
0x1e: {  	[sflag:s30] =	ssyncset.done @p0 $0x0  }
0x1f: {  	s29 =	simm.s32 @!p0 $0x0;
	[sflag:s30] =	ssyncadd.s32 @p0 $0xFFFFFC00;
	s30 =	simm.s32 @!p0 $0x5  }
0x20: {  	[tilespmem:s29], [sflag:$0x5] =	stream.linear.gather @!p0 [hbm4b:s10+s29], $0x4C00, $0x38;
	[tilespmem:$0x10340] =	vst v63  }
0x21: {  	_ =	swait.ge @!p0 [sflag:s30], $0x4C00  }
0x22: {  	[sflag:s30] =	ssyncset.done @!p0 $0x0  }
0x23: {  	s31 =	simm.s32 @!p0 $0x4C00;
	[sflag:s30] =	ssyncadd.s32 @!p0 $0xFFFFB400  }
0x24: {  	[tilespmem:s31], [sflag:$0x5] =	stream.linear.gather @!p0 [hbm4b:s11+s29], $0x4C00, $0x38;
	[tilespmem:$0x10340] =	vst v63  }
0x25: {  	_ =	swait.ge @!p0 [sflag:s30], $0x4C00  }
0x26: {  	[sflag:s30] =	ssyncset.done @!p0 $0x0  }
0x27: {  	[sflag:s30] =	ssyncadd.s32 @!p0 $0xFFFFB400  }
0x28: {  	s0 =	simm.s32 $0x0;
	[bflag:$0x0] =	sbarrier.arrive $0xFFFF  }
0x29: {  	[tilespmem:s17], [sflag:$0x1] =	stream.indirect.gather [hbm4b:s4+s16], $0x18, s0, s16, $0xb8;
	[tilespmem:$0x10340] =	vst v63  }
0x2a: {  	_ = 	snop  }
0x2b: {  	[tilespmem:s18], [sflag:$0x2] =	stream.indirect.gather [hbm4b:s4+s16], $0x18, s16, s16, $0xb8;
	[tilespmem:$0x10340] =	vst v63  }
0x2c: {  	_ = 	snop  }
0x2d: {  	[tilespmem:s20], [sflag:$0x3] =	stream.indirect.gather [hbm4b:s4+s16], $0x18, s19, s16, $0xb8;
	[tilespmem:$0x10340] =	vst v63  }
0x2e: {  	s29 =	simm.s32 $0x0;
	s30 =	simm.s32 $0x7  }
0x2f: {  	[tilespmem:s22], [sflag:$0x4] =	stream.indirect.gather [hbm4b:s4+s16], $0x18, s21, s16, $0xb8;
	[tilespmem:$0x10340] =	vst v63  }
.LBB2_2:
0x30: {  	_ =	swait.ge [sflag:s23], $0xC00  }
0x31: {  	s31 =	sshra.s32 s29, $0x2;
	[sflag:s23] =	ssyncset.done $0x0  }
0x32: {  	s3 =	sadd.s32 $0xFFFFFFFD, s30;
	s0 =	sadd.s32 $0x4C00, s31;
	[sflag:s23] =	ssyncadd.s32 $0xFFFFF400  }
0x33: {  	[spmem:s2] =	stream.indirect.scatter.add.f32 [tilespmem:s17], [sflag:$0x5], $0x18, s0, s16, $0xb8;
	[tilespmem:$0x10340] =	vst v63  }
0x34: {  	p1 =	sge.u32 s3, s7;
	_ =	swait.ge [sflag:s15], $0xC00  }
0x35: {  	s1 =	simm.s32 @!p1 $0x80;
	s0 =	sshra.s32 @!p1 s29, $0x2;
	[sflag:s15] =	ssyncset.done $0x0  }
0x36: {  	s3 =	simm.s32 @!p1 $0x9800;
	s0 =	sadd.s32 @!p1 $0x200, s0;
	[sflag:s15] =	ssyncadd.s32 $0xFFFFF400  }
0x37: {  	[tilespmem:s3], [sflag:$0x1] =	stream.indirect.gather @!p1 [hbm4b:s4+s1], $0x18, s0, s1, $0xb8;
	[tilespmem:$0x10340] =	vst v63  }
0x38: {  	_ =	swait.ge [sflag:s24], $0xC00  }
0x39: {  	[sflag:s24] =	ssyncset.done $0x0  }
0x3a: {  	s1 =	sadd.s32 $0x4C80, s31;
	s3 =	sadd.s32 $0xFFFFFFFE, s30;
	[sflag:s24] =	ssyncadd.s32 $0xFFFFF400  }
0x3b: {  	[spmem:s2] =	stream.indirect.scatter.add.f32 [tilespmem:s18], [sflag:$0x5], $0x18, s1, s16, $0xb8;
	[tilespmem:$0x10340] =	vst v63  }
0x3c: {  	p1 =	sge.u32 s3, s7;
	_ =	swait.ge [sflag:s15], $0xC00  }
0x3d: {  	s0 =	sshra.s32 @!p1 s29, $0x2;
	s3 =	simm.s32 @!p1 $0xA400;
	[sflag:s15] =	ssyncset.done $0x0  }
0x3e: {  	s0 =	sadd.s32 @!p1 $0x280, s0;
	s1 =	simm.s32 @!p1 $0x80;
	[sflag:s15] =	ssyncadd.s32 $0xFFFFF400  }
0x3f: {  	[tilespmem:s3], [sflag:$0x2] =	stream.indirect.gather @!p1 [hbm4b:s4+s1], $0x18, s0, s1, $0xb8;
	[tilespmem:$0x10340] =	vst v63  }
0x40: {  	_ =	swait.ge [sflag:s25], $0xC00  }
0x41: {  	[sflag:s25] =	ssyncset.done $0x0  }
0x42: {  	s1 =	sadd.s32 $0x4D00, s31;
	s3 =	sadd.s32 $0xFFFFFFFF, s30;
	[sflag:s25] =	ssyncadd.s32 $0xFFFFF400  }
0x43: {  	[spmem:s2] =	stream.indirect.scatter.add.f32 [tilespmem:s20], [sflag:$0x5], $0x18, s1, s16, $0xb8;
	[tilespmem:$0x10340] =	vst v63  }
0x44: {  	p1 =	sge.u32 s3, s7;
	_ =	swait.ge [sflag:s15], $0xC00  }
0x45: {  	s0 =	sshra.s32 @!p1 s29, $0x2;
	s3 =	simm.s32 @!p1 $0xB000;
	[sflag:s15] =	ssyncset.done $0x0  }
0x46: {  	s0 =	sadd.s32 @!p1 $0x300, s0;
	s1 =	simm.s32 @!p1 $0x80;
	[sflag:s15] =	ssyncadd.s32 $0xFFFFF400  }
0x47: {  	[tilespmem:s3], [sflag:$0x3] =	stream.indirect.gather @!p1 [hbm4b:s4+s1], $0x18, s0, s1, $0xb8;
	[tilespmem:$0x10340] =	vst v63  }
0x48: {  	_ =	swait.ge [sflag:s26], $0xC00  }
0x49: {  	[sflag:s26] =	ssyncset.done $0x0  }
0x4a: {  	s31 =	sadd.s32 $0x4D80, s31;
	p1 =	sge.u32 s30, s7;
	[sflag:s26] =	ssyncadd.s32 $0xFFFFF400  }
0x4b: {  	[spmem:s2] =	stream.indirect.scatter.add.f32 [tilespmem:s22], [sflag:$0x5], $0x18, s31, s16, $0xb8;
	[tilespmem:$0x10340] =	vst v63  }
0x4c: {  	s0 =	sshra.s32 @!p1 s29, $0x2;
	s1 =	simm.s32 @!p1 $0x80;
	_ =	swait.ge [sflag:s15], $0xC00  }
0x4d: {  	s3 =	simm.s32 @!p1 $0xBC00;
	s29 =	sadd.s32 $0x800, s29;
	[sflag:s15] =	ssyncset.done $0x0  }
0x4e: {  	s0 =	sadd.s32 @!p1 $0x380, s0;
	s31 =	rddreg [dreg:$0x3];
	[sflag:s15] =	ssyncadd.s32 $0xFFFFF400  }
0x4f: {  	[tilespmem:s3], [sflag:$0x4] =	stream.indirect.gather @!p1 [hbm4b:s4+s1], $0x18, s0, s1, $0xb8;
	[tilespmem:$0x10340] =	vst v63  }
0x50: {  	p1 =	sne.s32 s31, s29  }
.Ltmp0:
0x51: {  	_ = 	snop;
	(pc) =	sbr.rel @p1 .LBB2_2-.Ltmp0, $2  }
0x52: {  	_ =	sdelay $0x2  }
0x53: {  	s30 =	sadd.s32 $0x4, s30  }
0x54: {  	_ =	swait.ge [sflag:s23], $0xC00  }
0x55: {  	s0 =	sshra.s32 s29, $0x2;
	[sflag:s23] =	ssyncset.done $0x0  }
0x56: {  	s31 =	sadd.s32 $0xFFFFFFFD, s30;
	s1 =	sadd.s32 $0x4C00, s0;
	[sflag:s23] =	ssyncadd.s32 $0xFFFFF400  }
0x57: {  	[spmem:s2] =	stream.indirect.scatter.add.f32 [tilespmem:s17], [sflag:$0x5], $0x18, s1, s16, $0xb8;
	[tilespmem:$0x10340] =	vst v63  }
0x58: {  	p1 =	sge.u32 s31, s7;
	_ =	swait.ge [sflag:s15], $0xC00  }
0x59: {  	s3 =	simm.s32 @!p1 $0x80;
	s1 =	sshra.s32 @!p1 s29, $0x2;
	[sflag:s15] =	ssyncset.done $0x0  }
0x5a: {  	s31 =	simm.s32 @!p1 $0x9800;
	s1 =	sadd.s32 @!p1 $0x200, s1;
	[sflag:s15] =	ssyncadd.s32 $0xFFFFF400  }
0x5b: {  	[tilespmem:s31], [sflag:$0x1] =	stream.indirect.gather @!p1 [hbm4b:s4+s3], $0x18, s1, s3, $0xb8;
	[tilespmem:$0x10340] =	vst v63  }
0x5c: {  	_ =	swait.ge [sflag:s24], $0xC00  }
0x5d: {  	[sflag:s24] =	ssyncset.done $0x0  }
0x5e: {  	s3 =	sadd.s32 $0x4C80, s0;
	s31 =	sadd.s32 $0xFFFFFFFE, s30;
	[sflag:s24] =	ssyncadd.s32 $0xFFFFF400  }
0x5f: {  	[spmem:s2] =	stream.indirect.scatter.add.f32 [tilespmem:s18], [sflag:$0x5], $0x18, s3, s16, $0xb8;
	[tilespmem:$0x10340] =	vst v63  }
0x60: {  	p1 =	sge.u32 s31, s7;
	_ =	swait.ge [sflag:s15], $0xC00  }
0x61: {  	s1 =	sshra.s32 @!p1 s29, $0x2;
	s31 =	simm.s32 @!p1 $0xA400;
	[sflag:s15] =	ssyncset.done $0x0  }
0x62: {  	s1 =	sadd.s32 @!p1 $0x280, s1;
	s3 =	simm.s32 @!p1 $0x80;
	[sflag:s15] =	ssyncadd.s32 $0xFFFFF400  }
0x63: {  	[tilespmem:s31], [sflag:$0x2] =	stream.indirect.gather @!p1 [hbm4b:s4+s3], $0x18, s1, s3, $0xb8;
	[tilespmem:$0x10340] =	vst v63  }
0x64: {  	_ =	swait.ge [sflag:s25], $0xC00  }
0x65: {  	[sflag:s25] =	ssyncset.done $0x0  }
0x66: {  	s3 =	sadd.s32 $0x4D00, s0;
	s31 =	sadd.s32 $0xFFFFFFFF, s30;
	[sflag:s25] =	ssyncadd.s32 $0xFFFFF400  }
0x67: {  	[spmem:s2] =	stream.indirect.scatter.add.f32 [tilespmem:s20], [sflag:$0x5], $0x18, s3, s16, $0xb8;
	[tilespmem:$0x10340] =	vst v63  }
0x68: {  	p1 =	sge.u32 s31, s7;
	_ =	swait.ge [sflag:s15], $0xC00  }
0x69: {  	s1 =	sshra.s32 @!p1 s29, $0x2;
	s31 =	simm.s32 @!p1 $0xB000;
	[sflag:s15] =	ssyncset.done $0x0  }
0x6a: {  	s1 =	sadd.s32 @!p1 $0x300, s1;
	s3 =	simm.s32 @!p1 $0x80;
	[sflag:s15] =	ssyncadd.s32 $0xFFFFF400  }
0x6b: {  	[tilespmem:s31], [sflag:$0x3] =	stream.indirect.gather @!p1 [hbm4b:s4+s3], $0x18, s1, s3, $0xb8;
	[tilespmem:$0x10340] =	vst v63  }
0x6c: {  	_ =	swait.ge [sflag:s26], $0xC00  }
0x6d: {  	[sflag:s26] =	ssyncset.done $0x0  }
0x6e: {  	s0 =	sadd.s32 $0x4D80, s0;
	[sflag:s26] =	ssyncadd.s32 $0xFFFFF400  }
0x6f: {  	[spmem:s2] =	stream.indirect.scatter.add.f32 [tilespmem:s22], [sflag:$0x5], $0x18, s0, s16, $0xb8;
	[tilespmem:$0x10340] =	vst v63  }
0x70: {  	s28 =	sadd.s32 $0x1, s28;
	p1 =	sge.u32 s30, s7;
	_ =	swait.ge [sflag:s15], $0xC00  }
0x71: {  	s1 =	simm.s32 @!p1 $0x80;
	s0 =	sshra.s32 @!p1 s29, $0x2;
	[sflag:s15] =	ssyncset.done $0x0  }
0x72: {  	s3 =	simm.s32 @!p1 $0xBC00;
	s0 =	sadd.s32 @!p1 $0x380, s0;
	[sflag:s15] =	ssyncadd.s32 $0xFFFFF400  }
0x73: {  	[tilespmem:s3], [sflag:$0x4] =	stream.indirect.gather @!p1 [hbm4b:s4+s1], $0x18, s0, s1, $0xb8;
	[tilespmem:$0x10340] =	vst v63  }
0x74: {  	p1 =	sne.s32 s28, s13  }
.Ltmp1:
0x75: {  	[bflag:$0x0] =	sbarrier.arrive $0xFFFF;
	(pc) =	sbr.rel @p1 .LBB2_1-.Ltmp1, $4  }
0x76: {  	[hbm:s12], [sflag:s6] =	dma.local [spmem:s14], $0x768  }
0x77: {  	_ =	swait.ge [sflag:s15], $0x768  }
0x78: {  	[sflag:s15] =	ssyncset.done $0x0  }
0x79: {  	[sflag:s15] =	ssyncadd.s32 $0xFFFFF898  }
0x7a: {  	_ =	sfence.sel $0x180000  }
0x7b: {  	[bflag:$0x0] =	sbarrier.arrive $0xFFFF  }
0x7c: {  	_ =	strace $0x90000047  }
0x7d: {  	s0 =	stileid.u32;
	[bflag:$0x2] =	sbarrier.arrive $0xFFFF  }
0x7e: {  	p0 =	sne.s32 s0, $0x0;
	s0 =	rddreg [dreg:$0x2]  }
0x7f: {  	s0 =	sadd.s32 @!p0 $0x100000, s0  }
0x80: {  	[sflag:s0] =	ssyncadd.tile.s32 @!p0 $0x1;
	_ =	shalt  }
.Lfunc_end2:
_tile_overlayer_lowered:
.L_overlay_start_2:
0x81: {  	(tag) =	ssettag $0x2  }
0x82: {  	s0 =	rddreg [dreg:$0x0];
	s2 =	stileid.u32  }
0x83: {  	s1 =	rddreg [dreg:$0x1];
	p0 =	sne.s32 s2, $0x0  }
0x84: {  	s3 =	rddreg [dreg:$0x2];
	[bflag:$0x3] =	sbarrier.arrive $0xFFFF;
	s2 =	simm.s32 @!p0 $0x1C05  }
0x85: {  	[timem:s3], [sflag:s2] =	dma.local @!p0 [hbm:s0], s1  }
0x86: {  	s0 =	simm.s32 @!p0 $0x5  }
0x87: {  	_ =	swait.ge @!p0 [sflag:s0], s1  }
0x88: {  	s1 =	ssub.s32 @!p0 $0x0, s1;
	[sflag:s0] =	ssyncset.done @!p0 $0x0  }
0x89: {  	[sflag:s0] =	ssyncadd.s32 @!p0 s1  }
0x8a: {  	[bflag:$0x3] =	sbarrier.arrive $0xFFFF  }
0x8b: {  	_ =	shalt  }

</sc_bundles>
